<compile_context>
chip_gen: v7x
topology: tpu7x:2x2x1
jax: 0.10.2.dev20260603
libtpu: 0.0.44.dev20260713+nightly
codegen_flags: <defaults>
</compile_context>

<pallas_src>
import functools

import jax
import jax.numpy as jnp
from jax import lax
from jax.experimental import pallas as pl
from jax.experimental.pallas import tpu as pltpu
from jax.experimental.pallas import tpu_sc as plsc

_K = 32
_B = 8
_C = 384
_H = 224
_W = 224
_CB = 16
_NCB = _C // _CB
_L = 16
_NV = _C // _L


_HB = 28
_NS = _H // _HB


def _reduce_body(x_ref, o_ref, acc):
    j = pl.program_id(1)

    @pl.when(j == 0)
    def _():
        acc[...] = jnp.zeros_like(acc)

    acc[0, :] += jnp.sum(x_ref[0], axis=(0, 1))

    @pl.when(j == _NS - 1)
    def _():
        s = acc[0, :]
        bits = lax.bitcast_convert_type(s, jnp.int32)
        m = lax.shift_right_arithmetic(bits, 31)
        o_ref[0, 0, :] = bits ^ (m & jnp.int32(0x7FFFFFFF))


def _spatial_sum_keys(x):
    xt = jnp.transpose(x, (0, 2, 3, 1))
    return pl.pallas_call(
        _reduce_body,
        grid=(_B, _NS),
        in_specs=[pl.BlockSpec((1, _HB, _W, _C), lambda b, j: (b, j, 0, 0))],
        out_specs=pl.BlockSpec((1, 1, _C), lambda b, j: (b, 0, 0)),
        out_shape=jax.ShapeDtypeStruct((_B, 1, _C), jnp.int32),
        scratch_shapes=[pltpu.VMEM((1, _C), jnp.float32)],
    )(xt)


def _topk_mask_sc(keys):
    mesh = plsc.VectorSubcoreMesh(core_axis_name="c", subcore_axis_name="s", num_cores=2)
    sign = jnp.int32(-2147483648)

    @functools.partial(
        pl.kernel,
        mesh=mesh,
        out_type=jax.ShapeDtypeStruct((_B * _C,), jnp.float32),
        scratch_types=[
            pltpu.VMEM((_C,), jnp.int32),
            pltpu.VMEM((_C,), jnp.float32),
            pltpu.VMEM((2 * _L,), jnp.int32),
        ],
    )
    def k(k_hbm, out_hbm, kv, ov, rbuf):
        wid = lax.axis_index("s") * 2 + lax.axis_index("c")

        def lane_total(v):
            for sh in (4, 1):
                rbuf[pl.ds(0, _L)] = v
                rbuf[pl.ds(_L, _L)] = v
                v = v + rbuf[pl.ds(sh, _L)] + rbuf[pl.ds(2 * sh, _L)] + rbuf[pl.ds(3 * sh, _L)]
            return v

        def tree_total(vs):
            while len(vs) > 1:
                vs = [a + b for a, b in zip(vs[::2], vs[1::2])] + (
                    [vs[-1]] if len(vs) % 2 else [])
            return lane_total(vs[0])

        def lane_excl_prefix(v):
            p = v
            rbuf[pl.ds(0, _L)] = jnp.zeros((_L,), jnp.int32)
            for sh in (1, 2, 4, 8):
                rbuf[pl.ds(_L, _L)] = p
                p = p + rbuf[pl.ds(_L - sh, _L)]
            return p - v

        @pl.when(wid < _B)
        def _():
            pltpu.sync_copy(k_hbm.at[wid, 0], kv)
            kjs = [kv[pl.ds(j * _L, _L)] for j in range(_NV)]

            def bit_step(i, t_u):
                bit = jnp.full((_L,), 1, jnp.int32) << jnp.broadcast_to(31 - i, (_L,))
                cand_u = t_u | bit
                cand_s = cand_u ^ sign
                total = tree_total([jnp.where(kj >= cand_s, 1, 0) for kj in kjs])
                return jnp.where(total >= _K, cand_u, t_u)

            t_s = lax.fori_loop(0, 32, bit_step, jnp.zeros((_L,), jnp.int32)) ^ sign

            need = _K - tree_total([jnp.where(kj > t_s, 1, 0) for kj in kjs])

            def mask_step(j, base):
                kj = kv[pl.ds(j * _L, _L)]
                gt = kj > t_s
                eq = kj == t_s
                eqi = jnp.where(eq, 1, 0)
                excl = lane_excl_prefix(eqi)
                take = jnp.logical_or(gt, jnp.logical_and(eq, (base + excl) < need))
                ov[pl.ds(j * _L, _L)] = jnp.where(take, 1.0, 0.0).astype(jnp.float32)
                return base + lane_total(eqi)

            lax.fori_loop(0, _NV, mask_step, jnp.zeros((_L,), jnp.int32))

            pltpu.sync_copy(ov, out_hbm.at[pl.ds(wid * _C, _C)])

    return k(keys)


def kernel(x):
    keys = _spatial_sum_keys(x)
    return _topk_mask_sc(keys).reshape(_B, _C, 1, 1)

# --- scband reference (transcript-rebuilt; emitter-appended) ---
"""Pipeline reference for scband-top-kchannel-attention-36301063586365 (READ-ONLY COPY).

The authoritative reference and input builder live on the scoring server;
editing this copy changes nothing except your own understanding.
"""

import jax, jax.numpy as jnp
import numpy as np

TOP_K = 32

def setup_inputs(seed: int = 0) -> dict:
    key = jax.random.key(seed)
    x = jax.random.normal(key, (8, 384, 224, 224), dtype=jnp.float32)
    return {"x": x}

def reference(x):
    b, c = x.shape[0], x.shape[1]
    # AdaptiveAvgPool2d(1) -> mean over spatial dims
    y = jnp.mean(x, axis=(2, 3))  # [b, c]
    k = min(TOP_K, c)
    _, top_indices = jax.lax.top_k(y, k)  # [b, k]
    weights = jnp.zeros_like(y)
    rows = jnp.arange(b)[:, None]
    weights = weights.at[rows, top_indices].set(1.0)
    return weights.reshape(b, c, 1, 1)

if __name__ == "__main__":
    import jax
    _d = setup_inputs()
    print(jax.jit(kernel)(*tuple(_d.values())))

</pallas_src>

<mosaic_0001>
#map = affine_map<(d0, d1) -> (0, 0, 0)>
#map1 = affine_map<(d0, d1) -> (0)>
module attributes {stable_mosaic.version = 14 : i64} {
  func.func @_rewritten_body(%arg0: i32, %arg1: i32, %arg2: memref<8x1x384xi32, #tpu.memory_space<hbm>>, %arg3: memref<1xi32, #tpu.memory_space<hbm>>, %arg4: memref<3072xf32, #tpu.memory_space<hbm>>, %arg5: memref<384xi32, #tpu.memory_space<vmem>>, %arg6: memref<384xf32, #tpu.memory_space<vmem>>, %arg7: memref<32xi32, #tpu.memory_space<vmem>>) attributes {dimension_semantics = [#tpu.dimension_semantics<core_parallel>, #tpu.dimension_semantics<subcore_parallel>], iteration_bounds = array<i64: 2, 16>, scalar_prefetch = 0 : i64, scratch_operands = 3 : i64, tpu.core_type = #tpu.core_type<sc_vector_subcore>, window_params = [{transform_indices = #map}, {transform_indices = #map1}, {transform_indices = #map1}]} {
    %empty_ref3A = memref.alloca() : memref<16xi32, #tpu.memory_space<vmem>>
    "tpu.region"() ({
      %run_scoped3A = tpu.sem_alloc : memref<!tpu.dma_semaphore, #tpu.memory_space<semaphore_mem>>
      %dma_start3A = arith.constant 0 : i32
      %dma_start3A_5 = tpu.memref_slice %empty_ref3A[%dma_start3A] : memref<16xi32, #tpu.memory_space<vmem>> -> memref<1xi32, #tpu.memory_space<vmem>>
      %dma_start3A_6 = arith.constant 0 : i32
      %dma_start3A_7 = tpu.memref_slice %empty_ref3A[%dma_start3A_6] : memref<16xi32, #tpu.memory_space<vmem>> -> memref<1xi32, #tpu.memory_space<vmem>>
      tpu.enqueue_dma source(%arg3 : memref<1xi32, #tpu.memory_space<hbm>>) target(%dma_start3A_7 : memref<1xi32, #tpu.memory_space<vmem>>) target_semaphore(%run_scoped3A : memref<!tpu.dma_semaphore, #tpu.memory_space<semaphore_mem>>)
      %dma_wait3A = arith.constant 0 : i32
      %dma_wait3A_8 = tpu.memref_slice %empty_ref3A[%dma_wait3A] : memref<16xi32, #tpu.memory_space<vmem>> -> memref<1xi32, #tpu.memory_space<vmem>>
      %dma_wait3A_9 = arith.constant 0 : i32
      %dma_wait3A_10 = tpu.memref_slice %empty_ref3A[%dma_wait3A_9] : memref<16xi32, #tpu.memory_space<vmem>> -> memref<1xi32, #tpu.memory_space<vmem>>
      tpu.wait_dma2 semaphore(%run_scoped3A : memref<!tpu.dma_semaphore, #tpu.memory_space<semaphore_mem>>) src(%arg3 : memref<1xi32, #tpu.memory_space<hbm>>) dst(%dma_wait3A_10 : memref<1xi32, #tpu.memory_space<vmem>>)
      tpu.yield
    }) : () -> ()
    %get3A = arith.constant 0 : index
    %get3A_0 = tpu.vector_load %empty_ref3A[%get3A] {strides = array<i32>} : memref<16xi32, #tpu.memory_space<vmem>>, vector<16xi32>,
    %get3A_1 = vector.shape_cast %get3A_0 : vector<16xi32> to vector<16xi32>
    %slice3A = vector.extract_strided_slice %get3A_1 {offsets = [0], sizes = [1], strides = [1]} : vector<16xi32> to vector<1xi32>
    %squeeze3A = vector.extract %slice3A[0] : i32 from vector<1xi32>
    %mul3A = arith.constant 2 : i32
    %mul3A_2 = arith.muli %arg1, %mul3A : i32
    %add3A = arith.addi %mul3A_2, %arg0 : i32
    %lt3A = arith.constant 8 : i32
    %lt3A_3 = arith.cmpi slt, %add3A, %lt3A : i32
    %convert_element_type3A = arith.extui %lt3A_3 : i1 to i32
    %cond3A = arith.constant 0 : i32
    %cond3A_4 = arith.cmpi ne, %convert_element_type3A, %cond3A : i32
    scf.if %cond3A_4 {
      %run_scoped3A = arith.constant 0 : i32
      "tpu.region"() ({
        %run_scoped3A_299 = tpu.sem_alloc : memref<!tpu.dma_semaphore, #tpu.memory_space<semaphore_mem>>
        %dma_start3A = arith.constant 0 : i32
        %dma_start3A_300 = tpu.memref_slice %arg2[%add3A, %run_scoped3A, %dma_start3A] : memref<8x1x384xi32, #tpu.memory_space<hbm>> -> memref<1x1x384xi32, #tpu.memory_space<hbm>>
        %dma_start3A_301 = tpu.memref_squeeze %dma_start3A_300 : memref<1x1x384xi32, #tpu.memory_space<hbm>> -> memref<384xi32, #tpu.memory_space<hbm>>
        %dma_start3A_302 = arith.constant 0 : i32
        %dma_start3A_303 = tpu.memref_slice %arg2[%add3A, %run_scoped3A, %dma_start3A_302] : memref<8x1x384xi32, #tpu.memory_space<hbm>> -> memref<1x1x384xi32, #tpu.memory_space<hbm>>
        %dma_start3A_304 = tpu.memref_squeeze %dma_start3A_303 : memref<1x1x384xi32, #tpu.memory_space<hbm>> -> memref<384xi32, #tpu.memory_space<hbm>>
        tpu.enqueue_dma source(%dma_start3A_304 : memref<384xi32, #tpu.memory_space<hbm>>) target(%arg5 : memref<384xi32, #tpu.memory_space<vmem>>) target_semaphore(%run_scoped3A_299 : memref<!tpu.dma_semaphore, #tpu.memory_space<semaphore_mem>>)
        %dma_wait3A = arith.constant 0 : i32
        %dma_wait3A_305 = tpu.memref_slice %arg2[%add3A, %run_scoped3A, %dma_wait3A] : memref<8x1x384xi32, #tpu.memory_space<hbm>> -> memref<1x1x384xi32, #tpu.memory_space<hbm>>
        %dma_wait3A_306 = tpu.memref_squeeze %dma_wait3A_305 : memref<1x1x384xi32, #tpu.memory_space<hbm>> -> memref<384xi32, #tpu.memory_space<hbm>>
        %dma_wait3A_307 = arith.constant 0 : i32
        %dma_wait3A_308 = tpu.memref_slice %arg2[%add3A, %run_scoped3A, %dma_wait3A_307] : memref<8x1x384xi32, #tpu.memory_space<hbm>> -> memref<1x1x384xi32, #tpu.memory_space<hbm>>
        %dma_wait3A_309 = tpu.memref_squeeze %dma_wait3A_308 : memref<1x1x384xi32, #tpu.memory_space<hbm>> -> memref<384xi32, #tpu.memory_space<hbm>>
        tpu.wait_dma2 semaphore(%run_scoped3A_299 : memref<!tpu.dma_semaphore, #tpu.memory_space<semaphore_mem>>) src(%dma_wait3A_309 : memref<384xi32, #tpu.memory_space<hbm>>) dst(%arg5 : memref<384xi32, #tpu.memory_space<vmem>>)
        tpu.yield
      }) : () -> ()
      %get3A_5 = arith.constant 0 : index
      %get3A_6 = tpu.vector_load %arg5[%get3A_5] {strides = array<i32>} : memref<384xi32, #tpu.memory_space<vmem>>, vector<16xi32>,
      %get3A_7 = vector.shape_cast %get3A_6 : vector<16xi32> to vector<16xi32>
      %get3A_8 = arith.constant 16 : index
      %get3A_9 = tpu.vector_load %arg5[%get3A_8] {strides = array<i32>} : memref<384xi32, #tpu.memory_space<vmem>>, vector<16xi32>,
      %get3A_10 = vector.shape_cast %get3A_9 : vector<16xi32> to vector<16xi32>
      %get3A_11 = arith.constant 32 : index
      %get3A_12 = tpu.vector_load %arg5[%get3A_11] {strides = array<i32>} : memref<384xi32, #tpu.memory_space<vmem>>, vector<16xi32>,
      %get3A_13 = vector.shape_cast %get3A_12 : vector<16xi32> to vector<16xi32>
      %get3A_14 = arith.constant 48 : index
      %get3A_15 = tpu.vector_load %arg5[%get3A_14] {strides = array<i32>} : memref<384xi32, #tpu.memory_space<vmem>>, vector<16xi32>,
      %get3A_16 = vector.shape_cast %get3A_15 : vector<16xi32> to vector<16xi32>
      %get3A_17 = arith.constant 64 : index
      %get3A_18 = tpu.vector_load %arg5[%get3A_17] {strides = array<i32>} : memref<384xi32, #tpu.memory_space<vmem>>, vector<16xi32>,
      %get3A_19 = vector.shape_cast %get3A_18 : vector<16xi32> to vector<16xi32>
      %get3A_20 = arith.constant 80 : index
      %get3A_21 = tpu.vector_load %arg5[%get3A_20] {strides = array<i32>} : memref<384xi32, #tpu.memory_space<vmem>>, vector<16xi32>,
      %get3A_22 = vector.shape_cast %get3A_21 : vector<16xi32> to vector<16xi32>
      %get3A_23 = arith.constant 96 : index
      %get3A_24 = tpu.vector_load %arg5[%get3A_23] {strides = array<i32>} : memref<384xi32, #tpu.memory_space<vmem>>, vector<16xi32>,
      %get3A_25 = vector.shape_cast %get3A_24 : vector<16xi32> to vector<16xi32>
      %get3A_26 = arith.constant 112 : index
      %get3A_27 = tpu.vector_load %arg5[%get3A_26] {strides = array<i32>} : memref<384xi32, #tpu.memory_space<vmem>>, vector<16xi32>,
      %get3A_28 = vector.shape_cast %get3A_27 : vector<16xi32> to vector<16xi32>
      %get3A_29 = arith.constant 128 : index
      %get3A_30 = tpu.vector_load %arg5[%get3A_29] {strides = array<i32>} : memref<384xi32, #tpu.memory_space<vmem>>, vector<16xi32>,
      %get3A_31 = vector.shape_cast %get3A_30 : vector<16xi32> to vector<16xi32>
      %get3A_32 = arith.constant 144 : index
      %get3A_33 = tpu.vector_load %arg5[%get3A_32] {strides = array<i32>} : memref<384xi32, #tpu.memory_space<vmem>>, vector<16xi32>,
      %get3A_34 = vector.shape_cast %get3A_33 : vector<16xi32> to vector<16xi32>
      %get3A_35 = arith.constant 160 : index
      %get3A_36 = tpu.vector_load %arg5[%get3A_35] {strides = array<i32>} : memref<384xi32, #tpu.memory_space<vmem>>, vector<16xi32>,
      %get3A_37 = vector.shape_cast %get3A_36 : vector<16xi32> to vector<16xi32>
      %get3A_38 = arith.constant 176 : index
      %get3A_39 = tpu.vector_load %arg5[%get3A_38] {strides = array<i32>} : memref<384xi32, #tpu.memory_space<vmem>>, vector<16xi32>,
      %get3A_40 = vector.shape_cast %get3A_39 : vector<16xi32> to vector<16xi32>
      %get3A_41 = arith.constant 192 : index
      %get3A_42 = tpu.vector_load %arg5[%get3A_41] {strides = array<i32>} : memref<384xi32, #tpu.memory_space<vmem>>, vector<16xi32>,
      %get3A_43 = vector.shape_cast %get3A_42 : vector<16xi32> to vector<16xi32>
      %get3A_44 = arith.constant 208 : index
      %get3A_45 = tpu.vector_load %arg5[%get3A_44] {strides = array<i32>} : memref<384xi32, #tpu.memory_space<vmem>>, vector<16xi32>,
      %get3A_46 = vector.shape_cast %get3A_45 : vector<16xi32> to vector<16xi32>
      %get3A_47 = arith.constant 224 : index
      %get3A_48 = tpu.vector_load %arg5[%get3A_47] {strides = array<i32>} : memref<384xi32, #tpu.memory_space<vmem>>, vector<16xi32>,
      %get3A_49 = vector.shape_cast %get3A_48 : vector<16xi32> to vector<16xi32>
      %get3A_50 = arith.constant 240 : index
      %get3A_51 = tpu.vector_load %arg5[%get3A_50] {strides = array<i32>} : memref<384xi32, #tpu.memory_space<vmem>>, vector<16xi32>,
      %get3A_52 = vector.shape_cast %get3A_51 : vector<16xi32> to vector<16xi32>
      %get3A_53 = arith.constant 256 : index
      %get3A_54 = tpu.vector_load %arg5[%get3A_53] {strides = array<i32>} : memref<384xi32, #tpu.memory_space<vmem>>, vector<16xi32>,
      %get3A_55 = vector.shape_cast %get3A_54 : vector<16xi32> to vector<16xi32>
      %get3A_56 = arith.constant 272 : index
      %get3A_57 = tpu.vector_load %arg5[%get3A_56] {strides = array<i32>} : memref<384xi32, #tpu.memory_space<vmem>>, vector<16xi32>,
      %get3A_58 = vector.shape_cast %get3A_57 : vector<16xi32> to vector<16xi32>
      %get3A_59 = arith.constant 288 : index
      %get3A_60 = tpu.vector_load %arg5[%get3A_59] {strides = array<i32>} : memref<384xi32, #tpu.memory_space<vmem>>, vector<16xi32>,
      %get3A_61 = vector.shape_cast %get3A_60 : vector<16xi32> to vector<16xi32>
      %get3A_62 = arith.constant 304 : index
      %get3A_63 = tpu.vector_load %arg5[%get3A_62] {strides = array<i32>} : memref<384xi32, #tpu.memory_space<vmem>>, vector<16xi32>,
      %get3A_64 = vector.shape_cast %get3A_63 : vector<16xi32> to vector<16xi32>
      %get3A_65 = arith.constant 320 : index
      %get3A_66 = tpu.vector_load %arg5[%get3A_65] {strides = array<i32>} : memref<384xi32, #tpu.memory_space<vmem>>, vector<16xi32>,
      %get3A_67 = vector.shape_cast %get3A_66 : vector<16xi32> to vector<16xi32>
      %get3A_68 = arith.constant 336 : index
      %get3A_69 = tpu.vector_load %arg5[%get3A_68] {strides = array<i32>} : memref<384xi32, #tpu.memory_space<vmem>>, vector<16xi32>,
      %get3A_70 = vector.shape_cast %get3A_69 : vector<16xi32> to vector<16xi32>
      %get3A_71 = arith.constant 352 : index
      %get3A_72 = tpu.vector_load %arg5[%get3A_71] {strides = array<i32>} : memref<384xi32, #tpu.memory_space<vmem>>, vector<16xi32>,
      %get3A_73 = vector.shape_cast %get3A_72 : vector<16xi32> to vector<16xi32>
      %get3A_74 = arith.constant 368 : index
      %get3A_75 = tpu.vector_load %arg5[%get3A_74] {strides = array<i32>} : memref<384xi32, #tpu.memory_space<vmem>>, vector<16xi32>,
      %get3A_76 = vector.shape_cast %get3A_75 : vector<16xi32> to vector<16xi32>
      %broadcast_in_dim3A = arith.constant 0 : i32
      %broadcast_in_dim3A_77 = vector.broadcast %broadcast_in_dim3A : i32 to vector<16xi32>
      %scan3A = arith.constant 0 : i32
      %scan3A_78 = arith.constant 32 : i32
      %scan3A_79 = arith.addi %scan3A, %scan3A_78 : i32
      %scan3A_80 = arith.constant 1 : i32
      %scan3A_81 = scf.for %scan3A_299 = %scan3A to %scan3A_79 step %scan3A_80 iter_args(%scan3A_300 = %broadcast_in_dim3A_77) -> (vector<16xi32>)  : i32 {
        %broadcast_in_dim3A_301 = arith.constant 1 : i32
        %broadcast_in_dim3A_302 = vector.broadcast %broadcast_in_dim3A_301 : i32 to vector<16xi32>
        %sub3A_303 = arith.constant 31 : i32
        %sub3A_304 = arith.subi %sub3A_303, %scan3A_299 : i32
        %broadcast_in_dim3A_305 = vector.broadcast %sub3A_304 : i32 to vector<16xi32>
        %shift_left3A = arith.shli %broadcast_in_dim3A_302, %broadcast_in_dim3A_305 : vector<16xi32>
        %or3A = arith.ori %scan3A_300, %shift_left3A : vector<16xi32>
        %xor3A_306 = vector.broadcast %squeeze3A : i32 to vector<16xi32>
        %xor3A_307 = arith.xori %or3A, %xor3A_306 : vector<16xi32>
        %ge3A = arith.cmpi sge, %get3A_7, %xor3A_307 : vector<16xi32>
        %jit3A_308 = arith.constant 1 : i32
        %jit3A_309 = arith.constant 0 : i32
        %broadcast_in_dim3A_310 = vector.broadcast %jit3A_308 : i32 to vector<16xi32>
        %broadcast_in_dim3A_311 = vector.broadcast %jit3A_309 : i32 to vector<16xi32>
        %select_n3A_312 = arith.select %ge3A, %broadcast_in_dim3A_310, %broadcast_in_dim3A_311 : vector<16xi1>, vector<16xi32>
        %ge3A_313 = arith.cmpi sge, %get3A_10, %xor3A_307 : vector<16xi32>
        %jit3A_314 = arith.constant 1 : i32
        %jit3A_315 = arith.constant 0 : i32
        %broadcast_in_dim3A_316 = vector.broadcast %jit3A_314 : i32 to vector<16xi32>
        %broadcast_in_dim3A_317 = vector.broadcast %jit3A_315 : i32 to vector<16xi32>
        %select_n3A_318 = arith.select %ge3A_313, %broadcast_in_dim3A_316, %broadcast_in_dim3A_317 : vector<16xi1>, vector<16xi32>
        %ge3A_319 = arith.cmpi sge, %get3A_13, %xor3A_307 : vector<16xi32>
        %jit3A_320 = arith.constant 1 : i32
        %jit3A_321 = arith.constant 0 : i32
        %broadcast_in_dim3A_322 = vector.broadcast %jit3A_320 : i32 to vector<16xi32>
        %broadcast_in_dim3A_323 = vector.broadcast %jit3A_321 : i32 to vector<16xi32>
        %select_n3A_324 = arith.select %ge3A_319, %broadcast_in_dim3A_322, %broadcast_in_dim3A_323 : vector<16xi1>, vector<16xi32>
        %ge3A_325 = arith.cmpi sge, %get3A_16, %xor3A_307 : vector<16xi32>
        %jit3A_326 = arith.constant 1 : i32
        %jit3A_327 = arith.constant 0 : i32
        %broadcast_in_dim3A_328 = vector.broadcast %jit3A_326 : i32 to vector<16xi32>
        %broadcast_in_dim3A_329 = vector.broadcast %jit3A_327 : i32 to vector<16xi32>
        %select_n3A_330 = arith.select %ge3A_325, %broadcast_in_dim3A_328, %broadcast_in_dim3A_329 : vector<16xi1>, vector<16xi32>
        %ge3A_331 = arith.cmpi sge, %get3A_19, %xor3A_307 : vector<16xi32>
        %jit3A_332 = arith.constant 1 : i32
        %jit3A_333 = arith.constant 0 : i32
        %broadcast_in_dim3A_334 = vector.broadcast %jit3A_332 : i32 to vector<16xi32>
        %broadcast_in_dim3A_335 = vector.broadcast %jit3A_333 : i32 to vector<16xi32>
        %select_n3A_336 = arith.select %ge3A_331, %broadcast_in_dim3A_334, %broadcast_in_dim3A_335 : vector<16xi1>, vector<16xi32>
        %ge3A_337 = arith.cmpi sge, %get3A_22, %xor3A_307 : vector<16xi32>
        %jit3A_338 = arith.constant 1 : i32
        %jit3A_339 = arith.constant 0 : i32
        %broadcast_in_dim3A_340 = vector.broadcast %jit3A_338 : i32 to vector<16xi32>
        %broadcast_in_dim3A_341 = vector.broadcast %jit3A_339 : i32 to vector<16xi32>
        %select_n3A_342 = arith.select %ge3A_337, %broadcast_in_dim3A_340, %broadcast_in_dim3A_341 : vector<16xi1>, vector<16xi32>
        %ge3A_343 = arith.cmpi sge, %get3A_25, %xor3A_307 : vector<16xi32>
        %jit3A_344 = arith.constant 1 : i32
        %jit3A_345 = arith.constant 0 : i32
        %broadcast_in_dim3A_346 = vector.broadcast %jit3A_344 : i32 to vector<16xi32>
        %broadcast_in_dim3A_347 = vector.broadcast %jit3A_345 : i32 to vector<16xi32>
        %select_n3A_348 = arith.select %ge3A_343, %broadcast_in_dim3A_346, %broadcast_in_dim3A_347 : vector<16xi1>, vector<16xi32>
        %ge3A_349 = arith.cmpi sge, %get3A_28, %xor3A_307 : vector<16xi32>
        %jit3A_350 = arith.constant 1 : i32
        %jit3A_351 = arith.constant 0 : i32
        %broadcast_in_dim3A_352 = vector.broadcast %jit3A_350 : i32 to vector<16xi32>
        %broadcast_in_dim3A_353 = vector.broadcast %jit3A_351 : i32 to vector<16xi32>
        %select_n3A_354 = arith.select %ge3A_349, %broadcast_in_dim3A_352, %broadcast_in_dim3A_353 : vector<16xi1>, vector<16xi32>
        %ge3A_355 = arith.cmpi sge, %get3A_31, %xor3A_307 : vector<16xi32>
        %jit3A_356 = arith.constant 1 : i32
        %jit3A_357 = arith.constant 0 : i32
        %broadcast_in_dim3A_358 = vector.broadcast %jit3A_356 : i32 to vector<16xi32>
        %broadcast_in_dim3A_359 = vector.broadcast %jit3A_357 : i32 to vector<16xi32>
        %select_n3A_360 = arith.select %ge3A_355, %broadcast_in_dim3A_358, %broadcast_in_dim3A_359 : vector<16xi1>, vector<16xi32>
        %ge3A_361 = arith.cmpi sge, %get3A_34, %xor3A_307 : vector<16xi32>
        %jit3A_362 = arith.constant 1 : i32
        %jit3A_363 = arith.constant 0 : i32
        %broadcast_in_dim3A_364 = vector.broadcast %jit3A_362 : i32 to vector<16xi32>
        %broadcast_in_dim3A_365 = vector.broadcast %jit3A_363 : i32 to vector<16xi32>
        %select_n3A_366 = arith.select %ge3A_361, %broadcast_in_dim3A_364, %broadcast_in_dim3A_365 : vector<16xi1>, vector<16xi32>
        %ge3A_367 = arith.cmpi sge, %get3A_37, %xor3A_307 : vector<16xi32>
        %jit3A_368 = arith.constant 1 : i32
        %jit3A_369 = arith.constant 0 : i32
        %broadcast_in_dim3A_370 = vector.broadcast %jit3A_368 : i32 to vector<16xi32>
        %broadcast_in_dim3A_371 = vector.broadcast %jit3A_369 : i32 to vector<16xi32>
        %select_n3A_372 = arith.select %ge3A_367, %broadcast_in_dim3A_370, %broadcast_in_dim3A_371 : vector<16xi1>, vector<16xi32>
        %ge3A_373 = arith.cmpi sge, %get3A_40, %xor3A_307 : vector<16xi32>
        %jit3A_374 = arith.constant 1 : i32
        %jit3A_375 = arith.constant 0 : i32
        %broadcast_in_dim3A_376 = vector.broadcast %jit3A_374 : i32 to vector<16xi32>
        %broadcast_in_dim3A_377 = vector.broadcast %jit3A_375 : i32 to vector<16xi32>
        %select_n3A_378 = arith.select %ge3A_373, %broadcast_in_dim3A_376, %broadcast_in_dim3A_377 : vector<16xi1>, vector<16xi32>
        %ge3A_379 = arith.cmpi sge, %get3A_43, %xor3A_307 : vector<16xi32>
        %jit3A_380 = arith.constant 1 : i32
        %jit3A_381 = arith.constant 0 : i32
        %broadcast_in_dim3A_382 = vector.broadcast %jit3A_380 : i32 to vector<16xi32>
        %broadcast_in_dim3A_383 = vector.broadcast %jit3A_381 : i32 to vector<16xi32>
        %select_n3A_384 = arith.select %ge3A_379, %broadcast_in_dim3A_382, %broadcast_in_dim3A_383 : vector<16xi1>, vector<16xi32>
        %ge3A_385 = arith.cmpi sge, %get3A_46, %xor3A_307 : vector<16xi32>
        %jit3A_386 = arith.constant 1 : i32
        %jit3A_387 = arith.constant 0 : i32
        %broadcast_in_dim3A_388 = vector.broadcast %jit3A_386 : i32 to vector<16xi32>
        %broadcast_in_dim3A_389 = vector.broadcast %jit3A_387 : i32 to vector<16xi32>
        %select_n3A_390 = arith.select %ge3A_385, %broadcast_in_dim3A_388, %broadcast_in_dim3A_389 : vector<16xi1>, vector<16xi32>
        %ge3A_391 = arith.cmpi sge, %get3A_49, %xor3A_307 : vector<16xi32>
        %jit3A_392 = arith.constant 1 : i32
        %jit3A_393 = arith.constant 0 : i32
        %broadcast_in_dim3A_394 = vector.broadcast %jit3A_392 : i32 to vector<16xi32>
        %broadcast_in_dim3A_395 = vector.broadcast %jit3A_393 : i32 to vector<16xi32>
        %select_n3A_396 = arith.select %ge3A_391, %broadcast_in_dim3A_394, %broadcast_in_dim3A_395 : vector<16xi1>, vector<16xi32>
        %ge3A_397 = arith.cmpi sge, %get3A_52, %xor3A_307 : vector<16xi32>
        %jit3A_398 = arith.constant 1 : i32
        %jit3A_399 = arith.constant 0 : i32
        %broadcast_in_dim3A_400 = vector.broadcast %jit3A_398 : i32 to vector<16xi32>
        %broadcast_in_dim3A_401 = vector.broadcast %jit3A_399 : i32 to vector<16xi32>
        %select_n3A_402 = arith.select %ge3A_397, %broadcast_in_dim3A_400, %broadcast_in_dim3A_401 : vector<16xi1>, vector<16xi32>
        %ge3A_403 = arith.cmpi sge, %get3A_55, %xor3A_307 : vector<16xi32>
        %jit3A_404 = arith.constant 1 : i32
        %jit3A_405 = arith.constant 0 : i32
        %broadcast_in_dim3A_406 = vector.broadcast %jit3A_404 : i32 to vector<16xi32>
        %broadcast_in_dim3A_407 = vector.broadcast %jit3A_405 : i32 to vector<16xi32>
        %select_n3A_408 = arith.select %ge3A_403, %broadcast_in_dim3A_406, %broadcast_in_dim3A_407 : vector<16xi1>, vector<16xi32>
        %ge3A_409 = arith.cmpi sge, %get3A_58, %xor3A_307 : vector<16xi32>
        %jit3A_410 = arith.constant 1 : i32
        %jit3A_411 = arith.constant 0 : i32
        %broadcast_in_dim3A_412 = vector.broadcast %jit3A_410 : i32 to vector<16xi32>
        %broadcast_in_dim3A_413 = vector.broadcast %jit3A_411 : i32 to vector<16xi32>
        %select_n3A_414 = arith.select %ge3A_409, %broadcast_in_dim3A_412, %broadcast_in_dim3A_413 : vector<16xi1>, vector<16xi32>
        %ge3A_415 = arith.cmpi sge, %get3A_61, %xor3A_307 : vector<16xi32>
        %jit3A_416 = arith.constant 1 : i32
        %jit3A_417 = arith.constant 0 : i32
        %broadcast_in_dim3A_418 = vector.broadcast %jit3A_416 : i32 to vector<16xi32>
        %broadcast_in_dim3A_419 = vector.broadcast %jit3A_417 : i32 to vector<16xi32>
        %select_n3A_420 = arith.select %ge3A_415, %broadcast_in_dim3A_418, %broadcast_in_dim3A_419 : vector<16xi1>, vector<16xi32>
        %ge3A_421 = arith.cmpi sge, %get3A_64, %xor3A_307 : vector<16xi32>
        %jit3A_422 = arith.constant 1 : i32
        %jit3A_423 = arith.constant 0 : i32
        %broadcast_in_dim3A_424 = vector.broadcast %jit3A_422 : i32 to vector<16xi32>
        %broadcast_in_dim3A_425 = vector.broadcast %jit3A_423 : i32 to vector<16xi32>
        %select_n3A_426 = arith.select %ge3A_421, %broadcast_in_dim3A_424, %broadcast_in_dim3A_425 : vector<16xi1>, vector<16xi32>
        %ge3A_427 = arith.cmpi sge, %get3A_67, %xor3A_307 : vector<16xi32>
        %jit3A_428 = arith.constant 1 : i32
        %jit3A_429 = arith.constant 0 : i32
        %broadcast_in_dim3A_430 = vector.broadcast %jit3A_428 : i32 to vector<16xi32>
        %broadcast_in_dim3A_431 = vector.broadcast %jit3A_429 : i32 to vector<16xi32>
        %select_n3A_432 = arith.select %ge3A_427, %broadcast_in_dim3A_430, %broadcast_in_dim3A_431 : vector<16xi1>, vector<16xi32>
        %ge3A_433 = arith.cmpi sge, %get3A_70, %xor3A_307 : vector<16xi32>
        %jit3A_434 = arith.constant 1 : i32
        %jit3A_435 = arith.constant 0 : i32
        %broadcast_in_dim3A_436 = vector.broadcast %jit3A_434 : i32 to vector<16xi32>
        %broadcast_in_dim3A_437 = vector.broadcast %jit3A_435 : i32 to vector<16xi32>
        %select_n3A_438 = arith.select %ge3A_433, %broadcast_in_dim3A_436, %broadcast_in_dim3A_437 : vector<16xi1>, vector<16xi32>
        %ge3A_439 = arith.cmpi sge, %get3A_73, %xor3A_307 : vector<16xi32>
        %jit3A_440 = arith.constant 1 : i32
        %jit3A_441 = arith.constant 0 : i32
        %broadcast_in_dim3A_442 = vector.broadcast %jit3A_440 : i32 to vector<16xi32>
        %broadcast_in_dim3A_443 = vector.broadcast %jit3A_441 : i32 to vector<16xi32>
        %select_n3A_444 = arith.select %ge3A_439, %broadcast_in_dim3A_442, %broadcast_in_dim3A_443 : vector<16xi1>, vector<16xi32>
        %ge3A_445 = arith.cmpi sge, %get3A_76, %xor3A_307 : vector<16xi32>
        %jit3A_446 = arith.constant 1 : i32
        %jit3A_447 = arith.constant 0 : i32
        %broadcast_in_dim3A_448 = vector.broadcast %jit3A_446 : i32 to vector<16xi32>
        %broadcast_in_dim3A_449 = vector.broadcast %jit3A_447 : i32 to vector<16xi32>
        %select_n3A_450 = arith.select %ge3A_445, %broadcast_in_dim3A_448, %broadcast_in_dim3A_449 : vector<16xi1>, vector<16xi32>
        %add3A_451 = arith.addi %select_n3A_312, %select_n3A_318 : vector<16xi32>
        %add3A_452 = arith.addi %select_n3A_324, %select_n3A_330 : vector<16xi32>
        %add3A_453 = arith.addi %select_n3A_336, %select_n3A_342 : vector<16xi32>
        %add3A_454 = arith.addi %select_n3A_348, %select_n3A_354 : vector<16xi32>
        %add3A_455 = arith.addi %select_n3A_360, %select_n3A_366 : vector<16xi32>
        %add3A_456 = arith.addi %select_n3A_372, %select_n3A_378 : vector<16xi32>
        %add3A_457 = arith.addi %select_n3A_384, %select_n3A_390 : vector<16xi32>
        %add3A_458 = arith.addi %select_n3A_396, %select_n3A_402 : vector<16xi32>
        %add3A_459 = arith.addi %select_n3A_408, %select_n3A_414 : vector<16xi32>
        %add3A_460 = arith.addi %select_n3A_420, %select_n3A_426 : vector<16xi32>
        %add3A_461 = arith.addi %select_n3A_432, %select_n3A_438 : vector<16xi32>
        %add3A_462 = arith.addi %select_n3A_444, %select_n3A_450 : vector<16xi32>
        %add3A_463 = arith.addi %add3A_451, %add3A_452 : vector<16xi32>
        %add3A_464 = arith.addi %add3A_453, %add3A_454 : vector<16xi32>
        %add3A_465 = arith.addi %add3A_455, %add3A_456 : vector<16xi32>
        %add3A_466 = arith.addi %add3A_457, %add3A_458 : vector<16xi32>
        %add3A_467 = arith.addi %add3A_459, %add3A_460 : vector<16xi32>
        %add3A_468 = arith.addi %add3A_461, %add3A_462 : vector<16xi32>
        %add3A_469 = arith.addi %add3A_463, %add3A_464 : vector<16xi32>
        %add3A_470 = arith.addi %add3A_465, %add3A_466 : vector<16xi32>
        %add3A_471 = arith.addi %add3A_467, %add3A_468 : vector<16xi32>
        %add3A_472 = arith.addi %add3A_469, %add3A_470 : vector<16xi32>
        %add3A_473 = arith.addi %add3A_472, %add3A_471 : vector<16xi32>
        %swap3A_474 = arith.constant 0 : index
        %swap3A_475 = tpu.vector_load %arg7[%swap3A_474] {strides = array<i32>} : memref<32xi32, #tpu.memory_space<vmem>>, vector<16xi32>,
        %swap3A_476 = vector.shape_cast %swap3A_475 : vector<16xi32> to vector<16xi32>
        %swap3A_477 = vector.shape_cast %add3A_473 : vector<16xi32> to vector<16xi32>
        tpu.vector_store %arg7[%swap3A_474], %swap3A_477 {strides = array<i32>} : memref<32xi32, #tpu.memory_space<vmem>>, vector<16xi32>,
        %swap3A_478 = arith.constant 16 : index
        %swap3A_479 = tpu.vector_load %arg7[%swap3A_478] {strides = array<i32>} : memref<32xi32, #tpu.memory_space<vmem>>, vector<16xi32>,
        %swap3A_480 = vector.shape_cast %swap3A_479 : vector<16xi32> to vector<16xi32>
        %swap3A_481 = vector.shape_cast %add3A_473 : vector<16xi32> to vector<16xi32>
        tpu.vector_store %arg7[%swap3A_478], %swap3A_481 {strides = array<i32>} : memref<32xi32, #tpu.memory_space<vmem>>, vector<16xi32>,
        %get3A_482 = arith.constant 4 : index
        %get3A_483 = tpu.vector_load %arg7[%get3A_482] {strides = array<i32>} : memref<32xi32, #tpu.memory_space<vmem>>, vector<16xi32>,
        %get3A_484 = vector.shape_cast %get3A_483 : vector<16xi32> to vector<16xi32>
        %add3A_485 = arith.addi %add3A_473, %get3A_484 : vector<16xi32>
        %get3A_486 = arith.constant 8 : index
        %get3A_487 = tpu.vector_load %arg7[%get3A_486] {strides = array<i32>} : memref<32xi32, #tpu.memory_space<vmem>>, vector<16xi32>,
        %get3A_488 = vector.shape_cast %get3A_487 : vector<16xi32> to vector<16xi32>
        %add3A_489 = arith.addi %add3A_485, %get3A_488 : vector<16xi32>
        %get3A_490 = arith.constant 12 : index
        %get3A_491 = tpu.vector_load %arg7[%get3A_490] {strides = array<i32>} : memref<32xi32, #tpu.memory_space<vmem>>, vector<16xi32>,
        %get3A_492 = vector.shape_cast %get3A_491 : vector<16xi32> to vector<16xi32>
        %add3A_493 = arith.addi %add3A_489, %get3A_492 : vector<16xi32>
        %swap3A_494 = arith.constant 0 : index
        %swap3A_495 = tpu.vector_load %arg7[%swap3A_494] {strides = array<i32>} : memref<32xi32, #tpu.memory_space<vmem>>, vector<16xi32>,
        %swap3A_496 = vector.shape_cast %swap3A_495 : vector<16xi32> to vector<16xi32>
        %swap3A_497 = vector.shape_cast %add3A_493 : vector<16xi32> to vector<16xi32>
        tpu.vector_store %arg7[%swap3A_494], %swap3A_497 {strides = array<i32>} : memref<32xi32, #tpu.memory_space<vmem>>, vector<16xi32>,
        %swap3A_498 = arith.constant 16 : index
        %swap3A_499 = tpu.vector_load %arg7[%swap3A_498] {strides = array<i32>} : memref<32xi32, #tpu.memory_space<vmem>>, vector<16xi32>,
        %swap3A_500 = vector.shape_cast %swap3A_499 : vector<16xi32> to vector<16xi32>
        %swap3A_501 = vector.shape_cast %add3A_493 : vector<16xi32> to vector<16xi32>
        tpu.vector_store %arg7[%swap3A_498], %swap3A_501 {strides = array<i32>} : memref<32xi32, #tpu.memory_space<vmem>>, vector<16xi32>,
        %get3A_502 = arith.constant 1 : index
        %get3A_503 = tpu.vector_load %arg7[%get3A_502] {strides = array<i32>} : memref<32xi32, #tpu.memory_space<vmem>>, vector<16xi32>,
        %get3A_504 = vector.shape_cast %get3A_503 : vector<16xi32> to vector<16xi32>
        %add3A_505 = arith.addi %add3A_493, %get3A_504 : vector<16xi32>
        %get3A_506 = arith.constant 2 : index
        %get3A_507 = tpu.vector_load %arg7[%get3A_506] {strides = array<i32>} : memref<32xi32, #tpu.memory_space<vmem>>, vector<16xi32>,
        %get3A_508 = vector.shape_cast %get3A_507 : vector<16xi32> to vector<16xi32>
        %add3A_509 = arith.addi %add3A_505, %get3A_508 : vector<16xi32>
        %get3A_510 = arith.constant 3 : index
        %get3A_511 = tpu.vector_load %arg7[%get3A_510] {strides = array<i32>} : memref<32xi32, #tpu.memory_space<vmem>>, vector<16xi32>,
        %get3A_512 = vector.shape_cast %get3A_511 : vector<16xi32> to vector<16xi32>
        %add3A_513 = arith.addi %add3A_509, %get3A_512 : vector<16xi32>
        %ge3A_514 = arith.constant 32 : i32
        %ge3A_515 = vector.broadcast %ge3A_514 : i32 to vector<16xi32>
        %ge3A_516 = arith.cmpi sge, %add3A_513, %ge3A_515 : vector<16xi32>
        %select_n3A_517 = arith.select %ge3A_516, %or3A, %scan3A_300 : vector<16xi1>, vector<16xi32>
        scf.yield %select_n3A_517 : vector<16xi32>
      }
      %scan3A_82 = arith.constant 32 : i32
      %xor3A = vector.broadcast %squeeze3A : i32 to vector<16xi32>
      %xor3A_83 = arith.xori %scan3A_81, %xor3A : vector<16xi32>
      %gt3A = arith.cmpi sgt, %get3A_7, %xor3A_83 : vector<16xi32>
      %jit3A = arith.constant 1 : i32
      %jit3A_84 = arith.constant 0 : i32
      %broadcast_in_dim3A_85 = vector.broadcast %jit3A : i32 to vector<16xi32>
      %broadcast_in_dim3A_86 = vector.broadcast %jit3A_84 : i32 to vector<16xi32>
      %select_n3A = arith.select %gt3A, %broadcast_in_dim3A_85, %broadcast_in_dim3A_86 : vector<16xi1>, vector<16xi32>
      %gt3A_87 = arith.cmpi sgt, %get3A_10, %xor3A_83 : vector<16xi32>
      %jit3A_88 = arith.constant 1 : i32
      %jit3A_89 = arith.constant 0 : i32
      %broadcast_in_dim3A_90 = vector.broadcast %jit3A_88 : i32 to vector<16xi32>
      %broadcast_in_dim3A_91 = vector.broadcast %jit3A_89 : i32 to vector<16xi32>
      %select_n3A_92 = arith.select %gt3A_87, %broadcast_in_dim3A_90, %broadcast_in_dim3A_91 : vector<16xi1>, vector<16xi32>
      %gt3A_93 = arith.cmpi sgt, %get3A_13, %xor3A_83 : vector<16xi32>
      %jit3A_94 = arith.constant 1 : i32
      %jit3A_95 = arith.constant 0 : i32
      %broadcast_in_dim3A_96 = vector.broadcast %jit3A_94 : i32 to vector<16xi32>
      %broadcast_in_dim3A_97 = vector.broadcast %jit3A_95 : i32 to vector<16xi32>
      %select_n3A_98 = arith.select %gt3A_93, %broadcast_in_dim3A_96, %broadcast_in_dim3A_97 : vector<16xi1>, vector<16xi32>
      %gt3A_99 = arith.cmpi sgt, %get3A_16, %xor3A_83 : vector<16xi32>
      %jit3A_100 = arith.constant 1 : i32
      %jit3A_101 = arith.constant 0 : i32
      %broadcast_in_dim3A_102 = vector.broadcast %jit3A_100 : i32 to vector<16xi32>
      %broadcast_in_dim3A_103 = vector.broadcast %jit3A_101 : i32 to vector<16xi32>
      %select_n3A_104 = arith.select %gt3A_99, %broadcast_in_dim3A_102, %broadcast_in_dim3A_103 : vector<16xi1>, vector<16xi32>
      %gt3A_105 = arith.cmpi sgt, %get3A_19, %xor3A_83 : vector<16xi32>
      %jit3A_106 = arith.constant 1 : i32
      %jit3A_107 = arith.constant 0 : i32
      %broadcast_in_dim3A_108 = vector.broadcast %jit3A_106 : i32 to vector<16xi32>
      %broadcast_in_dim3A_109 = vector.broadcast %jit3A_107 : i32 to vector<16xi32>
      %select_n3A_110 = arith.select %gt3A_105, %broadcast_in_dim3A_108, %broadcast_in_dim3A_109 : vector<16xi1>, vector<16xi32>
      %gt3A_111 = arith.cmpi sgt, %get3A_22, %xor3A_83 : vector<16xi32>
      %jit3A_112 = arith.constant 1 : i32
      %jit3A_113 = arith.constant 0 : i32
      %broadcast_in_dim3A_114 = vector.broadcast %jit3A_112 : i32 to vector<16xi32>
      %broadcast_in_dim3A_115 = vector.broadcast %jit3A_113 : i32 to vector<16xi32>
      %select_n3A_116 = arith.select %gt3A_111, %broadcast_in_dim3A_114, %broadcast_in_dim3A_115 : vector<16xi1>, vector<16xi32>
      %gt3A_117 = arith.cmpi sgt, %get3A_25, %xor3A_83 : vector<16xi32>
      %jit3A_118 = arith.constant 1 : i32
      %jit3A_119 = arith.constant 0 : i32
      %broadcast_in_dim3A_120 = vector.broadcast %jit3A_118 : i32 to vector<16xi32>
      %broadcast_in_dim3A_121 = vector.broadcast %jit3A_119 : i32 to vector<16xi32>
      %select_n3A_122 = arith.select %gt3A_117, %broadcast_in_dim3A_120, %broadcast_in_dim3A_121 : vector<16xi1>, vector<16xi32>
      %gt3A_123 = arith.cmpi sgt, %get3A_28, %xor3A_83 : vector<16xi32>
      %jit3A_124 = arith.constant 1 : i32
      %jit3A_125 = arith.constant 0 : i32
      %broadcast_in_dim3A_126 = vector.broadcast %jit3A_124 : i32 to vector<16xi32>
      %broadcast_in_dim3A_127 = vector.broadcast %jit3A_125 : i32 to vector<16xi32>
      %select_n3A_128 = arith.select %gt3A_123, %broadcast_in_dim3A_126, %broadcast_in_dim3A_127 : vector<16xi1>, vector<16xi32>
      %gt3A_129 = arith.cmpi sgt, %get3A_31, %xor3A_83 : vector<16xi32>
      %jit3A_130 = arith.constant 1 : i32
      %jit3A_131 = arith.constant 0 : i32
      %broadcast_in_dim3A_132 = vector.broadcast %jit3A_130 : i32 to vector<16xi32>
      %broadcast_in_dim3A_133 = vector.broadcast %jit3A_131 : i32 to vector<16xi32>
      %select_n3A_134 = arith.select %gt3A_129, %broadcast_in_dim3A_132, %broadcast_in_dim3A_133 : vector<16xi1>, vector<16xi32>
      %gt3A_135 = arith.cmpi sgt, %get3A_34, %xor3A_83 : vector<16xi32>
      %jit3A_136 = arith.constant 1 : i32
      %jit3A_137 = arith.constant 0 : i32
      %broadcast_in_dim3A_138 = vector.broadcast %jit3A_136 : i32 to vector<16xi32>
      %broadcast_in_dim3A_139 = vector.broadcast %jit3A_137 : i32 to vector<16xi32>
      %select_n3A_140 = arith.select %gt3A_135, %broadcast_in_dim3A_138, %broadcast_in_dim3A_139 : vector<16xi1>, vector<16xi32>
      %gt3A_141 = arith.cmpi sgt, %get3A_37, %xor3A_83 : vector<16xi32>
      %jit3A_142 = arith.constant 1 : i32
      %jit3A_143 = arith.constant 0 : i32
      %broadcast_in_dim3A_144 = vector.broadcast %jit3A_142 : i32 to vector<16xi32>
      %broadcast_in_dim3A_145 = vector.broadcast %jit3A_143 : i32 to vector<16xi32>
      %select_n3A_146 = arith.select %gt3A_141, %broadcast_in_dim3A_144, %broadcast_in_dim3A_145 : vector<16xi1>, vector<16xi32>
      %gt3A_147 = arith.cmpi sgt, %get3A_40, %xor3A_83 : vector<16xi32>
      %jit3A_148 = arith.constant 1 : i32
      %jit3A_149 = arith.constant 0 : i32
      %broadcast_in_dim3A_150 = vector.broadcast %jit3A_148 : i32 to vector<16xi32>
      %broadcast_in_dim3A_151 = vector.broadcast %jit3A_149 : i32 to vector<16xi32>
      %select_n3A_152 = arith.select %gt3A_147, %broadcast_in_dim3A_150, %broadcast_in_dim3A_151 : vector<16xi1>, vector<16xi32>
      %gt3A_153 = arith.cmpi sgt, %get3A_43, %xor3A_83 : vector<16xi32>
      %jit3A_154 = arith.constant 1 : i32
      %jit3A_155 = arith.constant 0 : i32
      %broadcast_in_dim3A_156 = vector.broadcast %jit3A_154 : i32 to vector<16xi32>
      %broadcast_in_dim3A_157 = vector.broadcast %jit3A_155 : i32 to vector<16xi32>
      %select_n3A_158 = arith.select %gt3A_153, %broadcast_in_dim3A_156, %broadcast_in_dim3A_157 : vector<16xi1>, vector<16xi32>
      %gt3A_159 = arith.cmpi sgt, %get3A_46, %xor3A_83 : vector<16xi32>
      %jit3A_160 = arith.constant 1 : i32
      %jit3A_161 = arith.constant 0 : i32
      %broadcast_in_dim3A_162 = vector.broadcast %jit3A_160 : i32 to vector<16xi32>
      %broadcast_in_dim3A_163 = vector.broadcast %jit3A_161 : i32 to vector<16xi32>
      %select_n3A_164 = arith.select %gt3A_159, %broadcast_in_dim3A_162, %broadcast_in_dim3A_163 : vector<16xi1>, vector<16xi32>
      %gt3A_165 = arith.cmpi sgt, %get3A_49, %xor3A_83 : vector<16xi32>
      %jit3A_166 = arith.constant 1 : i32
      %jit3A_167 = arith.constant 0 : i32
      %broadcast_in_dim3A_168 = vector.broadcast %jit3A_166 : i32 to vector<16xi32>
      %broadcast_in_dim3A_169 = vector.broadcast %jit3A_167 : i32 to vector<16xi32>
      %select_n3A_170 = arith.select %gt3A_165, %broadcast_in_dim3A_168, %broadcast_in_dim3A_169 : vector<16xi1>, vector<16xi32>
      %gt3A_171 = arith.cmpi sgt, %get3A_52, %xor3A_83 : vector<16xi32>
      %jit3A_172 = arith.constant 1 : i32
      %jit3A_173 = arith.constant 0 : i32
      %broadcast_in_dim3A_174 = vector.broadcast %jit3A_172 : i32 to vector<16xi32>
      %broadcast_in_dim3A_175 = vector.broadcast %jit3A_173 : i32 to vector<16xi32>
      %select_n3A_176 = arith.select %gt3A_171, %broadcast_in_dim3A_174, %broadcast_in_dim3A_175 : vector<16xi1>, vector<16xi32>
      %gt3A_177 = arith.cmpi sgt, %get3A_55, %xor3A_83 : vector<16xi32>
      %jit3A_178 = arith.constant 1 : i32
      %jit3A_179 = arith.constant 0 : i32
      %broadcast_in_dim3A_180 = vector.broadcast %jit3A_178 : i32 to vector<16xi32>
      %broadcast_in_dim3A_181 = vector.broadcast %jit3A_179 : i32 to vector<16xi32>
      %select_n3A_182 = arith.select %gt3A_177, %broadcast_in_dim3A_180, %broadcast_in_dim3A_181 : vector<16xi1>, vector<16xi32>
      %gt3A_183 = arith.cmpi sgt, %get3A_58, %xor3A_83 : vector<16xi32>
      %jit3A_184 = arith.constant 1 : i32
      %jit3A_185 = arith.constant 0 : i32
      %broadcast_in_dim3A_186 = vector.broadcast %jit3A_184 : i32 to vector<16xi32>
      %broadcast_in_dim3A_187 = vector.broadcast %jit3A_185 : i32 to vector<16xi32>
      %select_n3A_188 = arith.select %gt3A_183, %broadcast_in_dim3A_186, %broadcast_in_dim3A_187 : vector<16xi1>, vector<16xi32>
      %gt3A_189 = arith.cmpi sgt, %get3A_61, %xor3A_83 : vector<16xi32>
      %jit3A_190 = arith.constant 1 : i32
      %jit3A_191 = arith.constant 0 : i32
      %broadcast_in_dim3A_192 = vector.broadcast %jit3A_190 : i32 to vector<16xi32>
      %broadcast_in_dim3A_193 = vector.broadcast %jit3A_191 : i32 to vector<16xi32>
      %select_n3A_194 = arith.select %gt3A_189, %broadcast_in_dim3A_192, %broadcast_in_dim3A_193 : vector<16xi1>, vector<16xi32>
      %gt3A_195 = arith.cmpi sgt, %get3A_64, %xor3A_83 : vector<16xi32>
      %jit3A_196 = arith.constant 1 : i32
      %jit3A_197 = arith.constant 0 : i32
      %broadcast_in_dim3A_198 = vector.broadcast %jit3A_196 : i32 to vector<16xi32>
      %broadcast_in_dim3A_199 = vector.broadcast %jit3A_197 : i32 to vector<16xi32>
      %select_n3A_200 = arith.select %gt3A_195, %broadcast_in_dim3A_198, %broadcast_in_dim3A_199 : vector<16xi1>, vector<16xi32>
      %gt3A_201 = arith.cmpi sgt, %get3A_67, %xor3A_83 : vector<16xi32>
      %jit3A_202 = arith.constant 1 : i32
      %jit3A_203 = arith.constant 0 : i32
      %broadcast_in_dim3A_204 = vector.broadcast %jit3A_202 : i32 to vector<16xi32>
      %broadcast_in_dim3A_205 = vector.broadcast %jit3A_203 : i32 to vector<16xi32>
      %select_n3A_206 = arith.select %gt3A_201, %broadcast_in_dim3A_204, %broadcast_in_dim3A_205 : vector<16xi1>, vector<16xi32>
      %gt3A_207 = arith.cmpi sgt, %get3A_70, %xor3A_83 : vector<16xi32>
      %jit3A_208 = arith.constant 1 : i32
      %jit3A_209 = arith.constant 0 : i32
      %broadcast_in_dim3A_210 = vector.broadcast %jit3A_208 : i32 to vector<16xi32>
      %broadcast_in_dim3A_211 = vector.broadcast %jit3A_209 : i32 to vector<16xi32>
      %select_n3A_212 = arith.select %gt3A_207, %broadcast_in_dim3A_210, %broadcast_in_dim3A_211 : vector<16xi1>, vector<16xi32>
      %gt3A_213 = arith.cmpi sgt, %get3A_73, %xor3A_83 : vector<16xi32>
      %jit3A_214 = arith.constant 1 : i32
      %jit3A_215 = arith.constant 0 : i32
      %broadcast_in_dim3A_216 = vector.broadcast %jit3A_214 : i32 to vector<16xi32>
      %broadcast_in_dim3A_217 = vector.broadcast %jit3A_215 : i32 to vector<16xi32>
      %select_n3A_218 = arith.select %gt3A_213, %broadcast_in_dim3A_216, %broadcast_in_dim3A_217 : vector<16xi1>, vector<16xi32>
      %gt3A_219 = arith.cmpi sgt, %get3A_76, %xor3A_83 : vector<16xi32>
      %jit3A_220 = arith.constant 1 : i32
      %jit3A_221 = arith.constant 0 : i32
      %broadcast_in_dim3A_222 = vector.broadcast %jit3A_220 : i32 to vector<16xi32>
      %broadcast_in_dim3A_223 = vector.broadcast %jit3A_221 : i32 to vector<16xi32>
      %select_n3A_224 = arith.select %gt3A_219, %broadcast_in_dim3A_222, %broadcast_in_dim3A_223 : vector<16xi1>, vector<16xi32>
      %add3A_225 = arith.addi %select_n3A, %select_n3A_92 : vector<16xi32>
      %add3A_226 = arith.addi %select_n3A_98, %select_n3A_104 : vector<16xi32>
      %add3A_227 = arith.addi %select_n3A_110, %select_n3A_116 : vector<16xi32>
      %add3A_228 = arith.addi %select_n3A_122, %select_n3A_128 : vector<16xi32>
      %add3A_229 = arith.addi %select_n3A_134, %select_n3A_140 : vector<16xi32>
      %add3A_230 = arith.addi %select_n3A_146, %select_n3A_152 : vector<16xi32>
      %add3A_231 = arith.addi %select_n3A_158, %select_n3A_164 : vector<16xi32>
      %add3A_232 = arith.addi %select_n3A_170, %select_n3A_176 : vector<16xi32>
      %add3A_233 = arith.addi %select_n3A_182, %select_n3A_188 : vector<16xi32>
      %add3A_234 = arith.addi %select_n3A_194, %select_n3A_200 : vector<16xi32>
      %add3A_235 = arith.addi %select_n3A_206, %select_n3A_212 : vector<16xi32>
      %add3A_236 = arith.addi %select_n3A_218, %select_n3A_224 : vector<16xi32>
      %add3A_237 = arith.addi %add3A_225, %add3A_226 : vector<16xi32>
      %add3A_238 = arith.addi %add3A_227, %add3A_228 : vector<16xi32>
      %add3A_239 = arith.addi %add3A_229, %add3A_230 : vector<16xi32>
      %add3A_240 = arith.addi %add3A_231, %add3A_232 : vector<16xi32>
      %add3A_241 = arith.addi %add3A_233, %add3A_234 : vector<16xi32>
      %add3A_242 = arith.addi %add3A_235, %add3A_236 : vector<16xi32>
      %add3A_243 = arith.addi %add3A_237, %add3A_238 : vector<16xi32>
      %add3A_244 = arith.addi %add3A_239, %add3A_240 : vector<16xi32>
      %add3A_245 = arith.addi %add3A_241, %add3A_242 : vector<16xi32>
      %add3A_246 = arith.addi %add3A_243, %add3A_244 : vector<16xi32>
      %add3A_247 = arith.addi %add3A_246, %add3A_245 : vector<16xi32>
      %swap3A = arith.constant 0 : index
      %swap3A_248 = tpu.vector_load %arg7[%swap3A] {strides = array<i32>} : memref<32xi32, #tpu.memory_space<vmem>>, vector<16xi32>,
      %swap3A_249 = vector.shape_cast %swap3A_248 : vector<16xi32> to vector<16xi32>
      %swap3A_250 = vector.shape_cast %add3A_247 : vector<16xi32> to vector<16xi32>
      tpu.vector_store %arg7[%swap3A], %swap3A_250 {strides = array<i32>} : memref<32xi32, #tpu.memory_space<vmem>>, vector<16xi32>,
      %swap3A_251 = arith.constant 16 : index
      %swap3A_252 = tpu.vector_load %arg7[%swap3A_251] {strides = array<i32>} : memref<32xi32, #tpu.memory_space<vmem>>, vector<16xi32>,
      %swap3A_253 = vector.shape_cast %swap3A_252 : vector<16xi32> to vector<16xi32>
      %swap3A_254 = vector.shape_cast %add3A_247 : vector<16xi32> to vector<16xi32>
      tpu.vector_store %arg7[%swap3A_251], %swap3A_254 {strides = array<i32>} : memref<32xi32, #tpu.memory_space<vmem>>, vector<16xi32>,
      %get3A_255 = arith.constant 4 : index
      %get3A_256 = tpu.vector_load %arg7[%get3A_255] {strides = array<i32>} : memref<32xi32, #tpu.memory_space<vmem>>, vector<16xi32>,
      %get3A_257 = vector.shape_cast %get3A_256 : vector<16xi32> to vector<16xi32>
      %add3A_258 = arith.addi %add3A_247, %get3A_257 : vector<16xi32>
      %get3A_259 = arith.constant 8 : index
      %get3A_260 = tpu.vector_load %arg7[%get3A_259] {strides = array<i32>} : memref<32xi32, #tpu.memory_space<vmem>>, vector<16xi32>,
      %get3A_261 = vector.shape_cast %get3A_260 : vector<16xi32> to vector<16xi32>
      %add3A_262 = arith.addi %add3A_258, %get3A_261 : vector<16xi32>
      %get3A_263 = arith.constant 12 : index
      %get3A_264 = tpu.vector_load %arg7[%get3A_263] {strides = array<i32>} : memref<32xi32, #tpu.memory_space<vmem>>, vector<16xi32>,
      %get3A_265 = vector.shape_cast %get3A_264 : vector<16xi32> to vector<16xi32>
      %add3A_266 = arith.addi %add3A_262, %get3A_265 : vector<16xi32>
      %swap3A_267 = arith.constant 0 : index
      %swap3A_268 = tpu.vector_load %arg7[%swap3A_267] {strides = array<i32>} : memref<32xi32, #tpu.memory_space<vmem>>, vector<16xi32>,
      %swap3A_269 = vector.shape_cast %swap3A_268 : vector<16xi32> to vector<16xi32>
      %swap3A_270 = vector.shape_cast %add3A_266 : vector<16xi32> to vector<16xi32>
      tpu.vector_store %arg7[%swap3A_267], %swap3A_270 {strides = array<i32>} : memref<32xi32, #tpu.memory_space<vmem>>, vector<16xi32>,
      %swap3A_271 = arith.constant 16 : index
      %swap3A_272 = tpu.vector_load %arg7[%swap3A_271] {strides = array<i32>} : memref<32xi32, #tpu.memory_space<vmem>>, vector<16xi32>,
      %swap3A_273 = vector.shape_cast %swap3A_272 : vector<16xi32> to vector<16xi32>
      %swap3A_274 = vector.shape_cast %add3A_266 : vector<16xi32> to vector<16xi32>
      tpu.vector_store %arg7[%swap3A_271], %swap3A_274 {strides = array<i32>} : memref<32xi32, #tpu.memory_space<vmem>>, vector<16xi32>,
      %get3A_275 = arith.constant 1 : index
      %get3A_276 = tpu.vector_load %arg7[%get3A_275] {strides = array<i32>} : memref<32xi32, #tpu.memory_space<vmem>>, vector<16xi32>,
      %get3A_277 = vector.shape_cast %get3A_276 : vector<16xi32> to vector<16xi32>
      %add3A_278 = arith.addi %add3A_266, %get3A_277 : vector<16xi32>
      %get3A_279 = arith.constant 2 : index
      %get3A_280 = tpu.vector_load %arg7[%get3A_279] {strides = array<i32>} : memref<32xi32, #tpu.memory_space<vmem>>, vector<16xi32>,
      %get3A_281 = vector.shape_cast %get3A_280 : vector<16xi32> to vector<16xi32>
      %add3A_282 = arith.addi %add3A_278, %get3A_281 : vector<16xi32>
      %get3A_283 = arith.constant 3 : index
      %get3A_284 = tpu.vector_load %arg7[%get3A_283] {strides = array<i32>} : memref<32xi32, #tpu.memory_space<vmem>>, vector<16xi32>,
      %get3A_285 = vector.shape_cast %get3A_284 : vector<16xi32> to vector<16xi32>
      %add3A_286 = arith.addi %add3A_282, %get3A_285 : vector<16xi32>
      %sub3A = arith.constant 32 : i32
      %sub3A_287 = vector.broadcast %sub3A : i32 to vector<16xi32>
      %sub3A_288 = arith.subi %sub3A_287, %add3A_286 : vector<16xi32>
      %broadcast_in_dim3A_289 = arith.constant 0 : i32
      %broadcast_in_dim3A_290 = vector.broadcast %broadcast_in_dim3A_289 : i32 to vector<16xi32>
      %scan3A_291 = arith.constant 0 : i32
      %scan3A_292 = arith.constant 24 : i32
      %scan3A_293 = arith.addi %scan3A_291, %scan3A_292 : i32
      %scan3A_294 = arith.constant 1 : i32
      %scan3A_295 = scf.for %scan3A_299 = %scan3A_291 to %scan3A_293 step %scan3A_294 iter_args(%scan3A_300 = %broadcast_in_dim3A_290) -> (vector<16xi32>)  : i32 {
        %mul3A_301 = arith.constant 16 : i32
        %mul3A_302 = arith.muli %scan3A_299, %mul3A_301 : i32
        %get3A_303 = arith.index_cast %mul3A_302 : i32 to index
        %get3A_304 = tpu.vector_load %arg5[%get3A_303] {strides = array<i32>} : memref<384xi32, #tpu.memory_space<vmem>>, vector<16xi32>,
        %get3A_305 = vector.shape_cast %get3A_304 : vector<16xi32> to vector<16xi32>
        %gt3A_306 = arith.cmpi sgt, %get3A_305, %xor3A_83 : vector<16xi32>
        %eq3A = arith.cmpi eq, %get3A_305, %xor3A_83 : vector<16xi32>
        %jit3A_307 = arith.constant 1 : i32
        %jit3A_308 = arith.constant 0 : i32
        %broadcast_in_dim3A_309 = vector.broadcast %jit3A_307 : i32 to vector<16xi32>
        %broadcast_in_dim3A_310 = vector.broadcast %jit3A_308 : i32 to vector<16xi32>
        %select_n3A_311 = arith.select %eq3A, %broadcast_in_dim3A_309, %broadcast_in_dim3A_310 : vector<16xi1>, vector<16xi32>
        %broadcast_in_dim3A_312 = arith.constant 0 : i32
        %broadcast_in_dim3A_313 = vector.broadcast %broadcast_in_dim3A_312 : i32 to vector<16xi32>
        %swap3A_314 = arith.constant 0 : index
        %swap3A_315 = tpu.vector_load %arg7[%swap3A_314] {strides = array<i32>} : memref<32xi32, #tpu.memory_space<vmem>>, vector<16xi32>,
        %swap3A_316 = vector.shape_cast %swap3A_315 : vector<16xi32> to vector<16xi32>
        %swap3A_317 = vector.shape_cast %broadcast_in_dim3A_313 : vector<16xi32> to vector<16xi32>
        tpu.vector_store %arg7[%swap3A_314], %swap3A_317 {strides = array<i32>} : memref<32xi32, #tpu.memory_space<vmem>>, vector<16xi32>,
        %swap3A_318 = arith.constant 16 : index
        %swap3A_319 = tpu.vector_load %arg7[%swap3A_318] {strides = array<i32>} : memref<32xi32, #tpu.memory_space<vmem>>, vector<16xi32>,
        %swap3A_320 = vector.shape_cast %swap3A_319 : vector<16xi32> to vector<16xi32>
        %swap3A_321 = vector.shape_cast %select_n3A_311 : vector<16xi32> to vector<16xi32>
        tpu.vector_store %arg7[%swap3A_318], %swap3A_321 {strides = array<i32>} : memref<32xi32, #tpu.memory_space<vmem>>, vector<16xi32>,
        %get3A_322 = arith.constant 15 : index
        %get3A_323 = tpu.vector_load %arg7[%get3A_322] {strides = array<i32>} : memref<32xi32, #tpu.memory_space<vmem>>, vector<16xi32>,
        %get3A_324 = vector.shape_cast %get3A_323 : vector<16xi32> to vector<16xi32>
        %add3A_325 = arith.addi %select_n3A_311, %get3A_324 : vector<16xi32>
        %swap3A_326 = arith.constant 16 : index
        %swap3A_327 = tpu.vector_load %arg7[%swap3A_326] {strides = array<i32>} : memref<32xi32, #tpu.memory_space<vmem>>, vector<16xi32>,
        %swap3A_328 = vector.shape_cast %swap3A_327 : vector<16xi32> to vector<16xi32>
        %swap3A_329 = vector.shape_cast %add3A_325 : vector<16xi32> to vector<16xi32>
        tpu.vector_store %arg7[%swap3A_326], %swap3A_329 {strides = array<i32>} : memref<32xi32, #tpu.memory_space<vmem>>, vector<16xi32>,
        %get3A_330 = arith.constant 14 : index
        %get3A_331 = tpu.vector_load %arg7[%get3A_330] {strides = array<i32>} : memref<32xi32, #tpu.memory_space<vmem>>, vector<16xi32>,
        %get3A_332 = vector.shape_cast %get3A_331 : vector<16xi32> to vector<16xi32>
        %add3A_333 = arith.addi %add3A_325, %get3A_332 : vector<16xi32>
        %swap3A_334 = arith.constant 16 : index
        %swap3A_335 = tpu.vector_load %arg7[%swap3A_334] {strides = array<i32>} : memref<32xi32, #tpu.memory_space<vmem>>, vector<16xi32>,
        %swap3A_336 = vector.shape_cast %swap3A_335 : vector<16xi32> to vector<16xi32>
        %swap3A_337 = vector.shape_cast %add3A_333 : vector<16xi32> to vector<16xi32>
        tpu.vector_store %arg7[%swap3A_334], %swap3A_337 {strides = array<i32>} : memref<32xi32, #tpu.memory_space<vmem>>, vector<16xi32>,
        %get3A_338 = arith.constant 12 : index
        %get3A_339 = tpu.vector_load %arg7[%get3A_338] {strides = array<i32>} : memref<32xi32, #tpu.memory_space<vmem>>, vector<16xi32>,
        %get3A_340 = vector.shape_cast %get3A_339 : vector<16xi32> to vector<16xi32>
        %add3A_341 = arith.addi %add3A_333, %get3A_340 : vector<16xi32>
        %swap3A_342 = arith.constant 16 : index
        %swap3A_343 = tpu.vector_load %arg7[%swap3A_342] {strides = array<i32>} : memref<32xi32, #tpu.memory_space<vmem>>, vector<16xi32>,
        %swap3A_344 = vector.shape_cast %swap3A_343 : vector<16xi32> to vector<16xi32>
        %swap3A_345 = vector.shape_cast %add3A_341 : vector<16xi32> to vector<16xi32>
        tpu.vector_store %arg7[%swap3A_342], %swap3A_345 {strides = array<i32>} : memref<32xi32, #tpu.memory_space<vmem>>, vector<16xi32>,
        %get3A_346 = arith.constant 8 : index
        %get3A_347 = tpu.vector_load %arg7[%get3A_346] {strides = array<i32>} : memref<32xi32, #tpu.memory_space<vmem>>, vector<16xi32>,
        %get3A_348 = vector.shape_cast %get3A_347 : vector<16xi32> to vector<16xi32>
        %add3A_349 = arith.addi %add3A_341, %get3A_348 : vector<16xi32>
        %sub3A_350 = arith.subi %add3A_349, %select_n3A_311 : vector<16xi32>
        %add3A_351 = arith.addi %scan3A_300, %sub3A_350 : vector<16xi32>
        %lt3A_352 = arith.cmpi slt, %add3A_351, %sub3A_288 : vector<16xi32>
        %and3A = arith.andi %eq3A, %lt3A_352 : vector<16xi1>
        %or3A = arith.ori %gt3A_306, %and3A : vector<16xi1>
        %jit3A_353 = arith.constant 1.000000e+00 : f32
        %jit3A_354 = arith.constant 0.000000e+00 : f32
        %broadcast_in_dim3A_355 = vector.broadcast %jit3A_353 : f32 to vector<16xf32>
        %broadcast_in_dim3A_356 = vector.broadcast %jit3A_354 : f32 to vector<16xf32>
        %select_n3A_357 = arith.select %or3A, %broadcast_in_dim3A_355, %broadcast_in_dim3A_356 : vector<16xi1>, vector<16xf32>
        %mul3A_358 = arith.constant 16 : i32
        %mul3A_359 = arith.muli %scan3A_299, %mul3A_358 : i32
        %swap3A_360 = arith.index_cast %mul3A_359 : i32 to index
        %swap3A_361 = tpu.vector_load %arg6[%swap3A_360] {strides = array<i32>} : memref<384xf32, #tpu.memory_space<vmem>>, vector<16xf32>,
        %swap3A_362 = vector.shape_cast %swap3A_361 : vector<16xf32> to vector<16xf32>
        %swap3A_363 = vector.shape_cast %select_n3A_357 : vector<16xf32> to vector<16xf32>
        tpu.vector_store %arg6[%swap3A_360], %swap3A_363 {strides = array<i32>} : memref<384xf32, #tpu.memory_space<vmem>>, vector<16xf32>,
        %swap3A_364 = arith.constant 0 : index
        %swap3A_365 = tpu.vector_load %arg7[%swap3A_364] {strides = array<i32>} : memref<32xi32, #tpu.memory_space<vmem>>, vector<16xi32>,
        %swap3A_366 = vector.shape_cast %swap3A_365 : vector<16xi32> to vector<16xi32>
        %swap3A_367 = vector.shape_cast %select_n3A_311 : vector<16xi32> to vector<16xi32>
        tpu.vector_store %arg7[%swap3A_364], %swap3A_367 {strides = array<i32>} : memref<32xi32, #tpu.memory_space<vmem>>, vector<16xi32>,
        %swap3A_368 = arith.constant 16 : index
        %swap3A_369 = tpu.vector_load %arg7[%swap3A_368] {strides = array<i32>} : memref<32xi32, #tpu.memory_space<vmem>>, vector<16xi32>,
        %swap3A_370 = vector.shape_cast %swap3A_369 : vector<16xi32> to vector<16xi32>
        %swap3A_371 = vector.shape_cast %select_n3A_311 : vector<16xi32> to vector<16xi32>
        tpu.vector_store %arg7[%swap3A_368], %swap3A_371 {strides = array<i32>} : memref<32xi32, #tpu.memory_space<vmem>>, vector<16xi32>,
        %get3A_372 = arith.constant 4 : index
        %get3A_373 = tpu.vector_load %arg7[%get3A_372] {strides = array<i32>} : memref<32xi32, #tpu.memory_space<vmem>>, vector<16xi32>,
        %get3A_374 = vector.shape_cast %get3A_373 : vector<16xi32> to vector<16xi32>
        %add3A_375 = arith.addi %select_n3A_311, %get3A_374 : vector<16xi32>
        %get3A_376 = arith.constant 8 : index
        %get3A_377 = tpu.vector_load %arg7[%get3A_376] {strides = array<i32>} : memref<32xi32, #tpu.memory_space<vmem>>, vector<16xi32>,
        %get3A_378 = vector.shape_cast %get3A_377 : vector<16xi32> to vector<16xi32>
        %add3A_379 = arith.addi %add3A_375, %get3A_378 : vector<16xi32>
        %get3A_380 = arith.constant 12 : index
        %get3A_381 = tpu.vector_load %arg7[%get3A_380] {strides = array<i32>} : memref<32xi32, #tpu.memory_space<vmem>>, vector<16xi32>,
        %get3A_382 = vector.shape_cast %get3A_381 : vector<16xi32> to vector<16xi32>
        %add3A_383 = arith.addi %add3A_379, %get3A_382 : vector<16xi32>
        %swap3A_384 = arith.constant 0 : index
        %swap3A_385 = tpu.vector_load %arg7[%swap3A_384] {strides = array<i32>} : memref<32xi32, #tpu.memory_space<vmem>>, vector<16xi32>,
        %swap3A_386 = vector.shape_cast %swap3A_385 : vector<16xi32> to vector<16xi32>
        %swap3A_387 = vector.shape_cast %add3A_383 : vector<16xi32> to vector<16xi32>
        tpu.vector_store %arg7[%swap3A_384], %swap3A_387 {strides = array<i32>} : memref<32xi32, #tpu.memory_space<vmem>>, vector<16xi32>,
        %swap3A_388 = arith.constant 16 : index
        %swap3A_389 = tpu.vector_load %arg7[%swap3A_388] {strides = array<i32>} : memref<32xi32, #tpu.memory_space<vmem>>, vector<16xi32>,
        %swap3A_390 = vector.shape_cast %swap3A_389 : vector<16xi32> to vector<16xi32>
        %swap3A_391 = vector.shape_cast %add3A_383 : vector<16xi32> to vector<16xi32>
        tpu.vector_store %arg7[%swap3A_388], %swap3A_391 {strides = array<i32>} : memref<32xi32, #tpu.memory_space<vmem>>, vector<16xi32>,
        %get3A_392 = arith.constant 1 : index
        %get3A_393 = tpu.vector_load %arg7[%get3A_392] {strides = array<i32>} : memref<32xi32, #tpu.memory_space<vmem>>, vector<16xi32>,
        %get3A_394 = vector.shape_cast %get3A_393 : vector<16xi32> to vector<16xi32>
        %add3A_395 = arith.addi %add3A_383, %get3A_394 : vector<16xi32>
        %get3A_396 = arith.constant 2 : index
        %get3A_397 = tpu.vector_load %arg7[%get3A_396] {strides = array<i32>} : memref<32xi32, #tpu.memory_space<vmem>>, vector<16xi32>,
        %get3A_398 = vector.shape_cast %get3A_397 : vector<16xi32> to vector<16xi32>
        %add3A_399 = arith.addi %add3A_395, %get3A_398 : vector<16xi32>
        %get3A_400 = arith.constant 3 : index
        %get3A_401 = tpu.vector_load %arg7[%get3A_400] {strides = array<i32>} : memref<32xi32, #tpu.memory_space<vmem>>, vector<16xi32>,
        %get3A_402 = vector.shape_cast %get3A_401 : vector<16xi32> to vector<16xi32>
        %add3A_403 = arith.addi %add3A_399, %get3A_402 : vector<16xi32>
        %add3A_404 = arith.addi %scan3A_300, %add3A_403 : vector<16xi32>
        scf.yield %add3A_404 : vector<16xi32>
      }
      %scan3A_296 = arith.constant 24 : i32
      %mul3A_297 = arith.constant 384 : i32
      %mul3A_298 = arith.muli %add3A, %mul3A_297 : i32
      "tpu.region"() ({
        %run_scoped3A_299 = tpu.sem_alloc : memref<!tpu.dma_semaphore, #tpu.memory_space<semaphore_mem>>
        %dma_start3A = tpu.memref_slice %arg4[%mul3A_298] : memref<3072xf32, #tpu.memory_space<hbm>> -> memref<384xf32, #tpu.memory_space<hbm>>
        %dma_start3A_300 = tpu.memref_slice %arg4[%mul3A_298] : memref<3072xf32, #tpu.memory_space<hbm>> -> memref<384xf32, #tpu.memory_space<hbm>>
        tpu.enqueue_dma source(%arg6 : memref<384xf32, #tpu.memory_space<vmem>>) target(%dma_start3A_300 : memref<384xf32, #tpu.memory_space<hbm>>) target_semaphore(%run_scoped3A_299 : memref<!tpu.dma_semaphore, #tpu.memory_space<semaphore_mem>>)
        %dma_wait3A = tpu.memref_slice %arg4[%mul3A_298] : memref<3072xf32, #tpu.memory_space<hbm>> -> memref<384xf32, #tpu.memory_space<hbm>>
        %dma_wait3A_301 = tpu.memref_slice %arg4[%mul3A_298] : memref<3072xf32, #tpu.memory_space<hbm>> -> memref<384xf32, #tpu.memory_space<hbm>>
        tpu.wait_dma2 semaphore(%run_scoped3A_299 : memref<!tpu.dma_semaphore, #tpu.memory_space<semaphore_mem>>) src(%arg6 : memref<384xf32, #tpu.memory_space<vmem>>) dst(%dma_wait3A_301 : memref<384xf32, #tpu.memory_space<hbm>>)
        tpu.yield
      }) : () -> ()
    } else {
    }
    return
  }
}

module attributes {stable_mosaic.version = 14 : i64} {
  func.func @_reduce_body(%arg0: i32, %arg1: i32, %arg2: memref<1x28x224x384xf32, #tpu.memory_space<vmem>>, %arg3: memref<1x1x384xi32, #tpu.memory_space<vmem>>, %arg4: memref<1x384xf32, #tpu.memory_space<vmem>>) attributes {dimension_semantics = [#tpu.dimension_semantics<arbitrary>, #tpu.dimension_semantics<arbitrary>], iteration_bounds = array<i64: 8, 8>, scalar_prefetch = 0 : i64, scratch_operands = 1 : i64, tpu.core_type = #tpu.core_type<tc>, window_params = [{transform_indices = @transform_0, window_bounds = array<i64: 1, 28, 224, 384>}, {transform_indices = @transform_1, window_bounds = array<i64: 1, 1, 384>}]} {
    %eq3A = arith.constant 0 : i32
    %eq3A_0 = arith.cmpi eq, %arg1, %eq3A : i32
    %convert_element_type3A = arith.extui %eq3A_0 : i1 to i32
    %cond3A = arith.constant 0 : i32
    %cond3A_1 = arith.cmpi ne, %convert_element_type3A, %cond3A : i32
    scf.if %cond3A_1 {
      %broadcast_in_dim3A = arith.constant 0.000000e+00 : f32
      %broadcast_in_dim3A_21 = vector.broadcast %broadcast_in_dim3A : f32 to vector<1x384xf32>
      %swap3A_22 = arith.constant 0 : index
      %swap3A_23 = arith.constant 0 : index
      %swap3A_24 = vector.load %arg4[%swap3A_22, %swap3A_23] : memref<1x384xf32, #tpu.memory_space<vmem>>, vector<1x384xf32>
      tpu.vector_store %arg4[%swap3A_22, %swap3A_23], %broadcast_in_dim3A_21 {strides = array<i32>} : memref<1x384xf32, #tpu.memory_space<vmem>>, vector<1x384xf32>,
    } else {
    }
    %get3A = arith.constant 0 : index
    %get3A_2 = arith.constant 0 : index
    %get3A_3 = vector.load %arg4[%get3A, %get3A_2] : memref<1x384xf32, #tpu.memory_space<vmem>>, vector<1x384xf32>
    %get3A_4 = vector.shape_cast %get3A_3 : vector<1x384xf32> to vector<384xf32>
    %get3A_5 = arith.constant 0 : index
    %get3A_6 = arith.constant 0 : index
    %get3A_7 = arith.constant 0 : index
    %get3A_8 = arith.constant 0 : index
    %get3A_9 = vector.load %arg2[%get3A_5, %get3A_6, %get3A_7, %get3A_8] : memref<1x28x224x384xf32, #tpu.memory_space<vmem>>, vector<1x28x224x384xf32>
    %get3A_10 = vector.shape_cast %get3A_9 : vector<1x28x224x384xf32> to vector<28x224x384xf32>
    %reduce_sum3A = arith.constant dense<0.000000e+00> : vector<384xf32>
    %reduce_sum3A_11 = vector.multi_reduction <add>, %get3A_10, %reduce_sum3A [0, 1] : vector<28x224x384xf32> to vector<384xf32>
    %add3A = arith.addf %get3A_4, %reduce_sum3A_11 : vector<384xf32>
    %swap3A = arith.constant 0 : index
    %swap3A_12 = arith.constant 0 : index
    %swap3A_13 = vector.load %arg4[%swap3A, %swap3A_12] : memref<1x384xf32, #tpu.memory_space<vmem>>, vector<1x384xf32>
    %swap3A_14 = vector.shape_cast %swap3A_13 : vector<1x384xf32> to vector<384xf32>
    %swap3A_15 = vector.shape_cast %add3A : vector<384xf32> to vector<1x384xf32>
    tpu.vector_store %arg4[%swap3A, %swap3A_12], %swap3A_15 {strides = array<i32>} : memref<1x384xf32, #tpu.memory_space<vmem>>, vector<1x384xf32>,
    %eq3A_16 = arith.constant 7 : i32
    %eq3A_17 = arith.cmpi eq, %arg1, %eq3A_16 : i32
    %convert_element_type3A_18 = arith.extui %eq3A_17 : i1 to i32
    %cond3A_19 = arith.constant 0 : i32
    %cond3A_20 = arith.cmpi ne, %convert_element_type3A_18, %cond3A_19 : i32
    scf.if %cond3A_20 {
      %get3A_21 = arith.constant 0 : index
      %get3A_22 = arith.constant 0 : index
      %get3A_23 = vector.load %arg4[%get3A_21, %get3A_22] : memref<1x384xf32, #tpu.memory_space<vmem>>, vector<1x384xf32>
      %get3A_24 = vector.shape_cast %get3A_23 : vector<1x384xf32> to vector<384xf32>
      %bitcast_convert_type3A = tpu.bitcast %get3A_24 : vector<384xf32> -> vector<384xi32>
      %shift_right_arithmetic3A = arith.constant 31 : i32
      %shift_right_arithmetic3A_25 = vector.broadcast %shift_right_arithmetic3A : i32 to vector<384xi32>
      %shift_right_arithmetic3A_26 = arith.shrsi %bitcast_convert_type3A, %shift_right_arithmetic3A_25 : vector<384xi32>
      %and3A = arith.constant 2147483647 : i32
      %and3A_27 = vector.broadcast %and3A : i32 to vector<384xi32>
      %and3A_28 = arith.andi %shift_right_arithmetic3A_26, %and3A_27 : vector<384xi32>
      %xor3A = arith.xori %bitcast_convert_type3A, %and3A_28 : vector<384xi32>
      %swap3A_29 = arith.constant 0 : index
      %swap3A_30 = arith.constant 0 : index
      %swap3A_31 = arith.constant 0 : index
      %swap3A_32 = vector.load %arg3[%swap3A_29, %swap3A_30, %swap3A_31] : memref<1x1x384xi32, #tpu.memory_space<vmem>>, vector<1x1x384xi32>
      %swap3A_33 = vector.shape_cast %swap3A_32 : vector<1x1x384xi32> to vector<384xi32>
      %swap3A_34 = vector.shape_cast %xor3A : vector<384xi32> to vector<1x1x384xi32>
      tpu.vector_store %arg3[%swap3A_29, %swap3A_30, %swap3A_31], %swap3A_34 {strides = array<i32>} : memref<1x1x384xi32, #tpu.memory_space<vmem>>, vector<1x1x384xi32>,
    } else {
    }
    return
  }
  func.func @transform_0(%arg0: i32, %arg1: i32) -> (i32, i32, i32, i32) {
    %c0_i32 = arith.constant 0 : i32
    %c0_i32_0 = arith.constant 0 : i32
    %c0_i32_1 = arith.constant 0 : i32
    return %arg0, %arg1, %c0_i32, %c0_i32_0 : i32, i32, i32, i32
  }
  func.func @transform_1(%arg0: i32, %arg1: i32) -> (i32, i32, i32) {
    %c0_i32 = arith.constant 0 : i32
    %c0_i32_0 = arith.constant 0 : i32
    %c0_i32_1 = arith.constant 0 : i32
    return %arg0, %c0_i32, %c0_i32_0 : i32, i32, i32
  }
}

</mosaic_0001>

<sc_bundles>
// kernel: kernel.4.cloned.1.call-start
scs
__scs_entry_jumppad:
0x0: {  	(pc) =	sbr.rel $0x88, $3  }
0x1: {  	(tag) =	ssettag $0x0;
	lr =	simm.s32 $0x1  }
0x2: {  	[smem:$0x3FA0] =	sst lr;
	_ =	strace $0xD0000000  }
0x3: {  	_ = 	snop  }
0x4: {  	_ = 	snop  }
0x5: {  	_ = 	snop  }
0x6: {  	_ = 	snop  }
0x7: {  	_ = 	snop  }
__scs_overlays_trampoline_lowered:
0x8: {  	[smem:$0x3FAF] =	sst s0  }
0x9: {  	[smem:$0x3FB0] =	sst s1  }
0xa: {  	[smem:$0x3FB1] =	sst s2  }
0xb: {  	[smem:$0x3FB2] =	sst s3  }
0xc: {  	[smem:$0x3FB3] =	sst s4  }
0xd: {  	[smem:$0x3FB4] =	sst s5  }
0xe: {  	[smem:$0x3FB5] =	sst s6  }
0xf: {  	[smem:$0x3FB6] =	sst s7  }
0x10: {  	[smem:$0x3FB7] =	sst s8  }
0x11: {  	[smem:$0x3FB8] =	sst s9;
	s0 =	simm.s32 @!p0 $0x0  }
0x12: {  	s1 =	sld [smem:$0x3F9E];
	s0 =	simm.s32 @p0 $0x1  }
0x13: {  	[smem:$0x3FB9] =	sst s0;
	s0 =	simm.s32 @!p1 $0x0  }
0x14: {  	s2 =	sld [smem:$0x3F9D];
	s0 =	simm.s32 @p1 $0x1  }
0x15: {  	[smem:$0x3FBA] =	sst s0;
	s0 =	simm.s32 @!p2 $0x0  }
0x16: {  	s3 =	sld [smem:$0x3FDB];
	s0 =	simm.s32 @p2 $0x1  }
0x17: {  	s4 =	simm.s32 $0x1BF5;
	[smem:$0x3FBC] =	sst s0  }
0x18: {  	s0 =	sld [smem:$0x3F9F];
	_ =	swait.ge [sflag:s4], $0x0  }
0x19: {  	s7 =	sld [smem:$0x3FA0]  }
0x1a: {  	s8 =	sadd.s32 $0xFFFFE003, lr  }
0x1b: {  	s9 =	sadd.s32 $0xFFFFFEF7, lr;
	s5 =	simm.s32 $0xFFFFFFFF;
	p2 =	slt.u32 s8, $0xFFFFF086  }
0x1c: {  	p1 =	slt.u32 s9, $0xF7A;
	s5 =	simm.s32 @!p2 $0x0  }
0x1d: {  	s5 =	simm.s32 @p1 $0x1;
	p0 =	seq.s32 s7, s2  }
0x1e: {  	s7 =	smul.u32 @!p0 $0xF7A, s2;
	p2 =	seq.s32 @!p0 s5, $0x0  }
0x1f: {  	s9 =	smul.u32 $0xF7A, s1;
	s8 =	simm.s32 @!p0 $0x1BF5;
	p2 =	por !p2, p0  }
0x20: {  	[sflag:s8] =	ssyncset.s32 @!p0 $0xFFFFF086;
	s6 =	sadd.s32 @!p0 s3, s7;
	s7 =	simm.s32 @!p0 $0x108  }
0x21: {  	s3 =	sadd.s32 s3, s9;
	s6 =	sadd.s32 @!p0 $0x88, s6;
	s7 =	simm.s32 @p2 $0x1082  }
0x22: {  	[simem:s7], [sflag:s8] =	dma.local @!p0 [hbm:s6], $0xF7A  }
0x23: {  	s9 =	sor.u32 $0xD0000000, s2;
	s6 =	simm.s32 $0x108;
	_ =	swait.ge @!p0 [sflag:s8], $0x0  }
0x24: {  	s3 =	sadd.s32 $0x88, s3;
	s6 =	simm.s32 @!p1 $0x1082;
	[sflag:s4] =	ssyncset.s32 $0xFFFFF086  }
0x25: {  	[simem:s6], [sflag:s4] =	dma.local [hbm:s3], $0xF7A  }
0x26: {  	[smem:$0x3FA0] =	sst s1;
	(tag) =	ssettag s2;
	_ =	strace s9  }
0x27: {  	s1 =	sld [smem:$0x3FB0]  }
0x28: {  	s2 =	sld [smem:$0x3FB1]  }
0x29: {  	s4 =	sld [smem:$0x3FB3]  }
0x2a: {  	p0 =	seq.s32 s5, $0x0;
	s5 =	sld [smem:$0x3FB4]  }
0x2b: {  	s6 =	sld [smem:$0x3FB5]  }
0x2c: {  	s7 =	sld [smem:$0x3FB6]  }
0x2d: {  	s3 =	simm.s32 $0x108;
	s8 =	sld [smem:$0x3FB7]  }
0x2e: {  	s3 =	simm.s32 @!p0 $0x1082;
	s9 =	sld [smem:$0x3FB8]  }
0x2f: {  	lr =	sadd.s32 s0, s3;
	s0 =	sld [smem:$0x3FAF]  }
0x30: {  	s3 =	sld [smem:$0x3FB2]  }
0x31: {  	[smem:$0x3FBB] =	sst s10  }
0x32: {  	s10 =	sld [smem:$0x3FB9];
	_ =	sdelay $0x3  }
0x33: {  	p0 =	seq.s32 s10, $0x1;
	s10 =	sld [smem:$0x3FBB];
	_ =	sdelay $0x3  }
0x34: {  	[smem:$0x3FBB] =	sst s10  }
0x35: {  	s10 =	sld [smem:$0x3FBA];
	_ =	sdelay $0x3  }
0x36: {  	p1 =	seq.s32 s10, $0x1;
	s10 =	sld [smem:$0x3FBB];
	_ =	sdelay $0x3  }
0x37: {  	[smem:$0x3FBB] =	sst s10  }
0x38: {  	s10 =	sld [smem:$0x3FBC]  }
0x39: {  	_ = 	snop;
	(pc) =	sbr.ind lr, $3  }
0x3a: {  	_ = 	snop  }
0x3b: {  	_ = 	snop  }
0x3c: {  	p2 =	seq.s32 s10, $0x1;
	s10 =	sld [smem:$0x3FBB]  }
0x3d: {  	_ =	shalt  }
0x3e: {  	_ =	shalt  }
0x3f: {  	_ =	shalt  }
0x40: {  	_ =	shalt  }
0x41: {  	_ =	shalt  }
0x42: {  	_ =	shalt  }
0x43: {  	_ =	shalt  }
0x44: {  	_ =	shalt  }
0x45: {  	_ =	shalt  }
0x46: {  	_ =	shalt  }
0x47: {  	_ =	shalt  }
0x48: {  	_ =	shalt  }
0x49: {  	_ =	shalt  }
0x4a: {  	_ =	shalt  }
0x4b: {  	_ =	shalt  }
0x4c: {  	_ =	shalt  }
0x4d: {  	_ =	shalt  }
0x4e: {  	_ =	shalt  }
0x4f: {  	_ =	shalt  }
0x50: {  	_ =	shalt  }
0x51: {  	_ =	shalt  }
0x52: {  	_ =	shalt  }
0x53: {  	_ =	shalt  }
0x54: {  	_ =	shalt  }
0x55: {  	_ =	shalt  }
0x56: {  	_ =	shalt  }
0x57: {  	_ =	shalt  }
0x58: {  	_ =	shalt  }
0x59: {  	_ =	shalt  }
0x5a: {  	_ =	shalt  }
0x5b: {  	_ =	shalt  }
0x5c: {  	_ =	shalt  }
0x5d: {  	_ =	shalt  }
0x5e: {  	_ =	shalt  }
0x5f: {  	_ =	shalt  }
0x60: {  	_ =	shalt  }
0x61: {  	_ =	shalt  }
0x62: {  	_ =	shalt  }
0x63: {  	_ =	shalt  }
0x64: {  	_ =	shalt  }
0x65: {  	_ =	shalt  }
0x66: {  	_ =	shalt  }
0x67: {  	_ =	shalt  }
0x68: {  	_ =	shalt  }
0x69: {  	_ =	shalt  }
0x6a: {  	_ =	shalt  }
0x6b: {  	_ =	shalt  }
0x6c: {  	_ =	shalt  }
0x6d: {  	_ =	shalt  }
0x6e: {  	_ =	shalt  }
0x6f: {  	_ =	shalt  }
0x70: {  	_ =	shalt  }
0x71: {  	_ =	shalt  }
0x72: {  	_ =	shalt  }
0x73: {  	_ =	shalt  }
0x74: {  	_ =	shalt  }
0x75: {  	_ =	shalt  }
0x76: {  	_ =	shalt  }
0x77: {  	_ =	shalt  }
0x78: {  	_ =	shalt  }
0x79: {  	_ =	shalt  }
0x7a: {  	_ =	shalt  }
0x7b: {  	_ =	shalt  }
0x7c: {  	_ =	shalt  }
0x7d: {  	_ =	shalt  }
0x7e: {  	_ =	shalt  }
0x7f: {  	_ =	shalt  }
0x80: {  	_ =	shalt  }
0x81: {  	_ =	shalt  }
0x82: {  	_ =	shalt  }
0x83: {  	_ =	shalt  }
0x84: {  	_ =	shalt  }
0x85: {  	_ =	shalt  }
0x86: {  	_ =	shalt  }
0x87: {  	_ =	shalt  }
.Lfunc_end0:
.L_simem_size_0:
called_computation_lowered:
.L_overlay_start_0:
0x88: {  	s2 =	sld [smem:$0x3FD9]  }
0x89: {  	s3 =	sld [smem:$0x3FFE];
	_ =	sdelay $0x1  }
0x8a: {  	s1 =	srdreg.scid  }
0x8b: {  	s0 =	sand.u32 $0x1, s1  }
0x8c: {  	s17 =	sshll.u32 s0, $0xA;
	s2 =	sadd.s32 s3, s2  }
0x8d: {  	s2 =	sadd.s32 s2, s17  }
0x8e: {  	[smem:$0x3FC7] =	sst s2  }
0x8f: {  	_ = 	snop  }
0x90: {  	s2 =	sld [smem:$0x3FD0];
	(tm) =	ssettm $0x1  }
0x91: {  	s18 =	sld [smem:$0x3FFB];
	_ =	sdelay $0x3  }
0x92: {  	_ =	strace s18  }
0x93: {  	s3 =	sld [smem:$0x3FFC];
	_ =	sdelay $0x3  }
0x94: {  	_ =	strace s3  }
0x95: {  	s3 =	sld [smem:$0x3FFD];
	_ =	sdelay $0x3  }
0x96: {  	_ =	strace s3  }
0x97: {  	_ =	strace $0x8FFFFFFF  }
0x98: {  	s19 =	sld [smem:$0x3FDB];
	_ =	sdelay $0x1  }
0x99: {  	s4 =	simm.s32 $_scs_section_size  }
0x9a: {  	s5 =	simm.s32 $_size__tile_overlayer_lowered;
	s6 =	simm.s32 $_tile_overlayer_lowered  }
0x9b: {  	s22 =	simm.s32 $0x1BFF;
	s21 =	sshll.u32 s6, $0x1;
	s3 =	sadd.s32 s4, s19  }
0x9c: {  	s7 =	simm.s32 $0x0;
	s20 =	sshll.u32 s5, $0x1;
	s5 =	sadd.s32 s21, s3  }
0x9d: {  	[timem:s7], [sflag:s22] =	dma.local [hbm:s5], s20  }
0x9e: {  	_ =	swait.ge [sflag:s22], s20  }
0x9f: {  	s4 =	ssub.s32 $0x0, s20;
	[sflag:s22] =	ssyncset.done $0x0  }
0xa0: {  	[sflag:s22] =	ssyncadd.s32 s4;
	_ =	sdelay $0x1  }
0xa1: {  	s23 =	simm.s32 $0x1B8B  }
0xa2: {  	_ =	swait.ge [sflag:s23], $0x1  }
0xa3: {  	[sflag:s23] =	ssyncset.done $0x0  }
0xa4: {  	s25 =	simm.s32 $0x1B8E;
	s24 =	sld [smem:$0x3FFE];
	[sflag:s23] =	ssyncadd.s32 $0xFFFFFFFF  }
0xa5: {  	s26 =	simm.s32 $execute0_lowered;
	[smem:$0x3FD2] =	sst s25  }
0xa6: {  	s5 =	sshll.u32 s26, $0x1;
	_ =	strace $0x80000046;
	[dreg:$0x1] =	wrdreg $0xFFFFFFFF  }
0xa7: {  	s28 =	simm.s32 $_size_execute0_lowered;
	s3 =	sadd.s32 s3, s5;
	[dreg:$0x0] =	wrdreg $0x0  }
0xa8: {  	s5 =	sshll.u32 s28, $0x1;
	[dreg:$0x2] =	wrdreg s3  }
0xa9: {  	[dreg:$0x3] =	wrdreg s5  }
0xaa: {  	[dreg:$0x4] =	wrdreg $0xC0  }
0xab: {  	_ =	task [dreg:s7], $0x5FFFF  }
0xac: {  	[dreg:$0x1] =	wrdreg $0xFFFFFFFF  }
0xad: {  	[dreg:$0x0] =	wrdreg $0x60  }
0xae: {  	[dreg:$0x2] =	wrdreg s24  }
0xaf: {  	[dreg:$0x3] =	wrdreg s2  }
0xb0: {  	[dreg:$0x4] =	wrdreg $0x9  }
0xb1: {  	_ =	task.clear_ibuf [dreg:s7], $0x5FFFF;
	_ =	strace $0x90000046  }
0xb2: {  	s29 =	simm.s32 $0x9;
	_ =	strace $0x80000048  }
0xb3: {  	_ =	swait.ge [sflag:s29], $0x1  }
0xb4: {  	[sflag:s29] =	ssyncadd.s32 $0xFFFFFFFF  }
0xb5: {  	_ =	strace $0x90000048  }
0xb6: {  	_ =	sfence  }
0xb7: {  	s30 =	sld [smem:$0x0];
	_ =	sdelay $0x2  }
0xb8: {  	s31 =	sshll.u32 s1, $0xD;
	s1 =	sshrl.u32 s1, $0x2  }
0xb9: {  	s3 =	sand.u32 $0x4000, s31;
	s1 =	sadd.s32 s1, s30  }
0xba: {  	s0 =	sor.u32 s3, s0;
	s1 =	sshll.u32 s1, $0x11  }
0xbb: {  	s0 =	sor.u32 s1, s0  }
0xbc: {  	s0 =	sadd.s32 $0x8F2B, s0  }
0xbd: {  	[sflag:s0] =	ssyncadd.remote.s32 $0x1  }
0xbe: {  	_ =	sfence.sel $0xFFFF  }
0xbf: {  	[dreg:$0x0] =	wrdreg $0xFFFFFFFF;
	(pc) =	sbr.abs _section_cstart, $3  }
0xc0: {  	[dreg:$0x1] =	wrdreg $0xFFFFFFFF  }
0xc1: {  	_ =	task.clear_ibuf [dreg:s7], $0x2FFFF;
	_ =	strace $0x9FFFFFFF  }
0xc2: {  	(tm) =	ssettm $0x7FFFFFFF  }
0xc3: {  	_ =	shalt  }
tec
execute0_lowered:
.L_overlay_start_1:
0x0: {  	(tag) =	ssettag $0x1  }
0x1: {  	s1 =	srdreg.scid;
	s0 =	stileid.u32  }
0x2: {  	s3 =	rddreg [dreg:$0x0];
	s4 =	sand.u32 $0x1, s1;
	s6 =	sshll.u32 s0, $0x1  }
0x3: {  	s5 =	rddreg [dreg:$0x1];
	s2 =	simm.s32 $0x0;
	s6 =	sor.u32 s4, s6  }
0x4: {  	s9 =	simm.s32 $0x180;
	s10 =	simm.s32 $0x0;
	s6 =	smul.u32 $0x30, s6  }
.Ltmp0:
0x5: {  	s1 =	rddreg [dreg:$0x2];
	s4 =	ssub.s32 $0x2, s4;
	(pc) =	sbr.rel .LBB2_1-.Ltmp0, $4  }
0x6: {  	[smem:$0x7FF] =	sst s2;
	p0 =	sgt.u32 s0, $0x3;
	s8 =	sshrl.u32 s4, $0x1  }
0x7: {  	_ =	strace $0x80000047;
	s8 =	ssub.s32 s4, s8;
	s7 =	sadd.s32 s6, s3  }
0x8: {  	s3 =	sadd.s32 $0x800, s3;
	s5 =	sadd.s32 s5, s6;
	s6 =	smax.u32 s8, $0x1  }
0x9: {  	v0 =	vimm.s32 $0x1;
	v1 =	vimm.s32 $0x0;
	v2 =	vimm.f32 $0.0e+00;
	s8 =	simm.s32 $0x1;
	s4 =	sadd.s32 $0x600, s7;
	s7 =	simm.s32 $0x380  }
.LBB2_6:
0xa: {  	vm0 =	vmand vm0, vm2  }
0xb: {  	vm0 =	vmor vm1, vm0  }
0xc: {  	v7 =	vsel vm0, $0x3F800000, v2  }
0xd: {  	[tilespmem:s11+$0x180] =	vst v7  }
0xe: {  	[tilespmem:$0x300] =	vst v6  }
0xf: {  	[tilespmem:$0x310] =	vst v6  }
0x10: {  	v7 =	vld [tilespmem:$0x304]  }
0x11: {  	v8 =	vld [tilespmem:$0x308]  }
0x12: {  	v9 =	vld [tilespmem:$0x30C];
	_ =	sdelay $0x2  }
0x13: {  	v55 =	vadd.s32 v6, v7  }
0x14: {  	v6 =	vadd.s32 v8, v55  }
0x15: {  	v6 =	vadd.s32 v9, v6  }
0x16: {  	[tilespmem:$0x300] =	vst v6  }
0x17: {  	[tilespmem:$0x310] =	vst v6  }
0x18: {  	v56 =	vld [tilespmem:s14+$0x0];
	_ =	sdelay $0x3  }
0x19: {  	v57 =	vld [tilespmem:$0x302]  }
0x1a: {  	v58 =	vld [tilespmem:$0x301];
	vm13 =	veq.s32 v56, v3  }
0x1b: {  	v10 =	vld [tilespmem:$0x303];
	[tilespmem:$0x300] =	vst v1;
	v11 =	vsel vm13, $0x1, v1  }
0x1c: {  	[tilespmem:$0x310] =	vst v11  }
0x1d: {  	v12 =	vld [tilespmem:$0x30F];
	_ =	sdelay $0x4  }
0x1e: {  	v12 =	vadd.s32 v11, v12  }
0x1f: {  	[tilespmem:$0x310] =	vst v12  }
0x20: {  	v13 =	vld [tilespmem:$0x30E];
	_ =	sdelay $0x4  }
0x21: {  	v12 =	vadd.s32 v12, v13  }
0x22: {  	[tilespmem:$0x310] =	vst v12  }
0x23: {  	v59 =	vld [tilespmem:$0x30C];
	_ =	sdelay $0x4  }
0x24: {  	v12 =	vadd.s32 v12, v59  }
0x25: {  	v5 =	vadd.s32 v5, v6;
	[tilespmem:$0x310] =	vst v12  }
0x26: {  	v5 =	vadd.s32 v58, v5;
	v60 =	vld [tilespmem:$0x308]  }
0x27: {  	v5 =	vadd.s32 v57, v5  }
0x28: {  	v61 =	vsel vm13, $0xFFFFFFFF, v1;
	v5 =	vadd.s32 v10, v5  }
0x29: {  	v5 =	vadd.s32 v61, v5  }
0x2a: {  	v5 =	vadd.s32 v12, v5  }
0x2b: {  	v5 =	vadd.s32 v60, v5  }
0x2c: {  	vm14 =	vlt.s32 v5, v4  }
0x2d: {  	vm15 =	vgt.s32 v56, v3;
	vm0 =	vmand vm13, vm14  }
0x2e: {  	vm0 =	vmor vm15, vm0  }
0x2f: {  	v3 =	vsel vm0, $0x3F800000, v2  }
0x30: {  	[tilespmem:s14+$0x180] =	vst v3  }
0x31: {  	[tilespmem:$0x300] =	vst v11  }
0x32: {  	[tilespmem:$0x310] =	vst v11  }
0x33: {  	v3 =	vld [tilespmem:$0x304]  }
0x34: {  	v62 =	vld [tilespmem:$0x308]  }
0x35: {  	v63 =	vld [tilespmem:$0x30C];
	_ =	sdelay $0x2  }
0x36: {  	v3 =	vadd.s32 v11, v3  }
0x37: {  	v3 =	vadd.s32 v62, v3  }
0x38: {  	v3 =	vadd.s32 v63, v3  }
0x39: {  	[tilespmem:$0x300] =	vst v3  }
0x3a: {  	[tilespmem:$0x310] =	vst v3  }
0x3b: {  	[hbm4b:s5+s2] =	stream.linear.scatter [tilespmem:s9], [sflag:$0x1], $0x180, $0x38;
	[tilespmem:$0x400] =	vst v63  }
0x3c: {  	_ =	swait.ge [sflag:s8], $0x180  }
0x3d: {  	[sflag:s8] =	ssyncset.done $0x0  }
0x3e: {  	[sflag:s8] =	ssyncadd.s32 $0xFFFFFE80  }
.LBB2_7:
0x3f: {  	s10 =	sadd.s32 $0x1, s10  }
0x40: {  	p1 =	sne.s32 s10, s6  }
.Ltmp1:
0x41: {  	_ = 	snop;
	(pc) =	sbr.rel @!p1 .LBB2_8-.Ltmp1, $1  }
0x42: {  	_ =	sdelay $0x3  }
.LBB2_1:
.Ltmp2:
0x43: {  	(pc) =	sbr.rel @p0 .LBB2_7-.Ltmp2, $4  }
0x44: {  	[tilespmem:s7], [sflag:$0x1] =	stream.linear.gather [hbm4b:s3+s2], $0x1, $0x38;
	[tilespmem:$0x400] =	vst v63  }
0x45: {  	_ =	swait.ge [sflag:s8], $0x1  }
0x46: {  	[sflag:s8] =	ssyncset.done $0x0  }
0x47: {  	[sflag:s8] =	ssyncadd.s32 $0xFFFFFFFF  }
0x48: {  	v3 =	vld.msk [tilespmem:$0x380 ss:$0x0], $0xffff;
	[tilespmem:s2], [sflag:$0x1] =	stream.linear.gather [hbm4b:s4+s2], $0x180, $0x38  }
0x49: {  	_ =	swait.ge [sflag:s8], $0x180  }
0x4a: {  	[sflag:s8] =	ssyncset.done $0x0  }
0x4b: {  	[sflag:s8] =	ssyncadd.s32 $0xFFFFFE80  }
0x4c: {  	s11 =	simm.s32 $0x1F;
	v11 =	vld [tilespmem:$0x100]  }
0x4d: {  	v4 =	vshll.u32 v0, s11;
	v13 =	vld [tilespmem:$0x110]  }
0x4e: {  	v4 =	vbroadcast v4, $0x0;
	v12 =	vld [tilespmem:$0x130]  }
0x4f: {  	v23 =	vimm.s32 $0x0;
	v14 =	vld [tilespmem:$0x120]  }
0x50: {  	v8 =	vld [tilespmem:$0x150];
	v28 =	vor.u32 v23, v4  }
0x51: {  	v7 =	vld [tilespmem:$0x140];
	v30 =	vxor.u32 v3, v28  }
0x52: {  	v4 =	vld [tilespmem:$0x170];
	vm0 =	vge.s32 v11, v30;
	vm1 =	vge.s32 v13, v30  }
0x53: {  	v5 =	vld [tilespmem:$0x160];
	vm2 =	vge.s32 v12, v30;
	v9 =	vsel vm0, $0x1, v1;
	v10 =	vsel vm1, $0x1, v1  }
0x54: {  	v6 =	vld [tilespmem:$0x10];
	vm7 =	vge.s32 v14, v30;
	v15 =	vsel vm2, $0x1, v1;
	v10 =	vadd.s32 v10, v9  }
0x55: {  	vm8 =	vge.s32 v8, v30;
	v16 =	vsel vm7, $0x1, v1;
	v9 =	vld [tilespmem:$0x0];
	v15 =	vadd.s32 v15, v10  }
0x56: {  	vm9 =	vge.s32 v7, v30;
	v17 =	vsel vm8, $0x1, v1;
	v10 =	vld [tilespmem:$0x30];
	v16 =	vadd.s32 v16, v15  }
0x57: {  	vm10 =	vge.s32 v4, v30;
	v18 =	vsel vm9, $0x1, v1;
	v15 =	vld [tilespmem:$0x20];
	v17 =	vadd.s32 v17, v16  }
0x58: {  	vm11 =	vge.s32 v5, v30;
	v19 =	vsel vm10, $0x1, v1;
	v16 =	vld [tilespmem:$0x50];
	v18 =	vadd.s32 v18, v17  }
0x59: {  	vm12 =	vge.s32 v6, v30;
	v20 =	vsel vm11, $0x1, v1;
	v17 =	vld [tilespmem:$0x40];
	v19 =	vadd.s32 v19, v18  }
0x5a: {  	v21 =	vsel vm12, $0x1, v1;
	v18 =	vld [tilespmem:$0x70];
	vm13 =	vge.s32 v9, v30;
	v20 =	vadd.s32 v20, v19  }
0x5b: {  	v19 =	vld [tilespmem:$0x60];
	vm14 =	vge.s32 v10, v30;
	v22 =	vsel vm13, $0x1, v1;
	v21 =	vadd.s32 v21, v20  }
0x5c: {  	v20 =	vld [tilespmem:$0x90];
	vm15 =	vge.s32 v15, v30;
	v24 =	vsel vm14, $0x1, v1;
	v22 =	vadd.s32 v22, v21  }
0x5d: {  	v21 =	vld [tilespmem:$0x80];
	vm4 =	vge.s32 v16, v30;
	v25 =	vsel vm15, $0x1, v1;
	v24 =	vadd.s32 v24, v22  }
0x5e: {  	v22 =	vld [tilespmem:$0xB0];
	vm5 =	vge.s32 v17, v30;
	v26 =	vsel vm4, $0x1, v1;
	v25 =	vadd.s32 v25, v24  }
0x5f: {  	v24 =	vld [tilespmem:$0xA0];
	vm6 =	vge.s32 v18, v30;
	v27 =	vsel vm5, $0x1, v1;
	v26 =	vadd.s32 v26, v25  }
0x60: {  	v25 =	vld [tilespmem:$0xD0];
	vm7 =	vge.s32 v19, v30;
	v29 =	vsel vm6, $0x1, v1;
	v27 =	vadd.s32 v27, v26  }
0x61: {  	v26 =	vld [tilespmem:$0xC0];
	vm8 =	vge.s32 v20, v30;
	v31 =	vsel vm7, $0x1, v1;
	v29 =	vadd.s32 v29, v27  }
0x62: {  	v27 =	vld [tilespmem:$0xF0];
	vm9 =	vge.s32 v21, v30;
	v32 =	vsel vm8, $0x1, v1;
	v31 =	vadd.s32 v31, v29  }
0x63: {  	v29 =	vld [tilespmem:$0xE0];
	vm10 =	vge.s32 v22, v30;
	v33 =	vsel vm9, $0x1, v1;
	v31 =	vadd.s32 v32, v31  }
0x64: {  	vm11 =	vge.s32 v24, v30;
	v56 =	vsel vm10, $0x1, v1;
	v31 =	vadd.s32 v33, v31  }
0x65: {  	vm12 =	vge.s32 v25, v30;
	v57 =	vsel vm11, $0x1, v1;
	v31 =	vadd.s32 v56, v31  }
0x66: {  	vm13 =	vge.s32 v26, v30;
	v58 =	vsel vm12, $0x1, v1;
	v31 =	vadd.s32 v57, v31  }
0x67: {  	vm14 =	vge.s32 v27, v30;
	v59 =	vsel vm13, $0x1, v1;
	v31 =	vadd.s32 v58, v31  }
0x68: {  	vm15 =	vge.s32 v29, v30;
	v30 =	vsel vm14, $0x1, v1;
	v31 =	vadd.s32 v59, v31  }
0x69: {  	v60 =	vsel vm15, $0x1, v1;
	v30 =	vadd.s32 v30, v31  }
0x6a: {  	v30 =	vadd.s32 v60, v30  }
0x6b: {  	[tilespmem:$0x300] =	vst v30  }
0x6c: {  	[tilespmem:$0x310] =	vst v30  }
0x6d: {  	v31 =	vld [tilespmem:$0x304]  }
0x6e: {  	v61 =	vld [tilespmem:$0x308]  }
0x6f: {  	v62 =	vld [tilespmem:$0x30C];
	_ =	sdelay $0x2  }
0x70: {  	v30 =	vadd.s32 v30, v31  }
0x71: {  	v30 =	vadd.s32 v61, v30  }
0x72: {  	v32 =	vadd.s32 v62, v30  }
0x73: {  	[tilespmem:$0x300] =	vst v32  }
0x74: {  	[tilespmem:$0x310] =	vst v32  }
0x75: {  	v63 =	vld [tilespmem:$0x301];
	_ =	sdelay $0x1  }
0x76: {  	v30 =	vld [tilespmem:$0x302]  }
0x77: {  	v31 =	vld [tilespmem:$0x303];
	_ =	sdelay $0x1  }
0x78: {  	s11 =	simm.s32 $0x1E;
	v32 =	vadd.s32 v32, v63  }
.LBB2_3:
0x79: {  	p1 =	sne.s32 s11, $0x0;
	s12 =	smov.u32 s11;
	s11 =	sadd.s32 $0xFFFFFFFF, s11  }
0x7a: {  	v30 =	vadd.s32 v30, v32;
	v33 =	vshll.u32 v0, s12  }
0x7b: {  	v30 =	vadd.s32 v31, v30;
	v32 =	vbroadcast v33, $0x0  }
0x7c: {  	vm0 =	vgt.s32 v30, $0x1F  }
0x7d: {  	v23 =	vsel vm0, v28, v23  }
0x7e: {  	v28 =	vor.u32 v23, v32  }
0x7f: {  	v30 =	vxor.u32 v3, v28  }
0x80: {  	vm0 =	vge.s32 v11, v30;
	vm1 =	vge.s32 v13, v30;
	vm2 =	vge.s32 v12, v30  }
0x81: {  	v31 =	vsel vm0, $0x1, v1;
	v32 =	vsel vm1, $0x1, v1;
	v33 =	vsel vm2, $0x1, v1  }
0x82: {  	vm0 =	vge.s32 v14, v30;
	vm1 =	vge.s32 v8, v30;
	v31 =	vadd.s32 v32, v31  }
0x83: {  	v32 =	vsel vm0, $0x1, v1;
	vm0 =	vge.s32 v7, v30;
	v31 =	vadd.s32 v33, v31  }
0x84: {  	v33 =	vsel vm1, $0x1, v1;
	vm1 =	vge.s32 v4, v30;
	v31 =	vadd.s32 v32, v31  }
0x85: {  	v32 =	vsel vm0, $0x1, v1;
	vm0 =	vge.s32 v5, v30;
	v31 =	vadd.s32 v33, v31  }
0x86: {  	vm2 =	vge.s32 v6, v30;
	v33 =	vsel vm1, $0x1, v1;
	v31 =	vadd.s32 v32, v31  }
0x87: {  	vm1 =	vge.s32 v9, v30;
	v32 =	vsel vm0, $0x1, v1;
	v31 =	vadd.s32 v33, v31  }
0x88: {  	vm0 =	vge.s32 v10, v30;
	v33 =	vsel vm2, $0x1, v1;
	v31 =	vadd.s32 v32, v31  }
0x89: {  	v32 =	vsel vm1, $0x1, v1;
	vm1 =	vge.s32 v15, v30;
	v31 =	vadd.s32 v33, v31  }
0x8a: {  	v33 =	vsel vm0, $0x1, v1;
	vm0 =	vge.s32 v16, v30;
	v31 =	vadd.s32 v32, v31  }
0x8b: {  	v32 =	vsel vm1, $0x1, v1;
	vm1 =	vge.s32 v17, v30;
	v31 =	vadd.s32 v33, v31  }
0x8c: {  	v33 =	vsel vm0, $0x1, v1;
	vm0 =	vge.s32 v18, v30;
	v31 =	vadd.s32 v32, v31  }
0x8d: {  	v32 =	vsel vm1, $0x1, v1;
	vm1 =	vge.s32 v19, v30;
	v31 =	vadd.s32 v33, v31  }
0x8e: {  	v33 =	vsel vm0, $0x1, v1;
	vm0 =	vge.s32 v20, v30;
	v31 =	vadd.s32 v32, v31  }
0x8f: {  	v32 =	vsel vm1, $0x1, v1;
	vm1 =	vge.s32 v21, v30;
	v31 =	vadd.s32 v33, v31  }
0x90: {  	v33 =	vsel vm0, $0x1, v1;
	vm0 =	vge.s32 v22, v30;
	v31 =	vadd.s32 v32, v31  }
0x91: {  	v32 =	vsel vm1, $0x1, v1;
	vm1 =	vge.s32 v24, v30;
	v31 =	vadd.s32 v33, v31  }
0x92: {  	v33 =	vsel vm0, $0x1, v1;
	vm0 =	vge.s32 v25, v30;
	v31 =	vadd.s32 v32, v31  }
0x93: {  	v32 =	vsel vm1, $0x1, v1;
	vm1 =	vge.s32 v26, v30;
	v31 =	vadd.s32 v33, v31  }
0x94: {  	v33 =	vsel vm0, $0x1, v1;
	vm0 =	vge.s32 v27, v30;
	v31 =	vadd.s32 v32, v31  }
0x95: {  	v32 =	vsel vm1, $0x1, v1;
	vm1 =	vge.s32 v29, v30;
	v30 =	vadd.s32 v33, v31  }
0x96: {  	v31 =	vsel vm0, $0x1, v1;
	v30 =	vadd.s32 v32, v30  }
0x97: {  	v32 =	vsel vm1, $0x1, v1;
	v30 =	vadd.s32 v31, v30  }
0x98: {  	v30 =	vadd.s32 v32, v30  }
0x99: {  	[tilespmem:$0x300] =	vst v30  }
0x9a: {  	[tilespmem:$0x310] =	vst v30  }
0x9b: {  	v31 =	vld [tilespmem:$0x304]  }
0x9c: {  	v32 =	vld [tilespmem:$0x308]  }
0x9d: {  	v33 =	vld [tilespmem:$0x30C];
	_ =	sdelay $0x2  }
0x9e: {  	v30 =	vadd.s32 v30, v31  }
0x9f: {  	v30 =	vadd.s32 v32, v30  }
0xa0: {  	v32 =	vadd.s32 v33, v30  }
0xa1: {  	[tilespmem:$0x300] =	vst v32  }
0xa2: {  	[tilespmem:$0x310] =	vst v32  }
0xa3: {  	v33 =	vld [tilespmem:$0x301]  }
.Ltmp3:
0xa4: {  	v30 =	vld [tilespmem:$0x302];
	(pc) =	sbr.rel @p1 .LBB2_3-.Ltmp3, $2  }
0xa5: {  	v31 =	vld [tilespmem:$0x303];
	_ =	sdelay $0x2  }
0xa6: {  	v32 =	vadd.s32 v32, v33  }
0xa7: {  	v30 =	vadd.s32 v30, v32  }
0xa8: {  	v30 =	vadd.s32 v31, v30  }
0xa9: {  	vm0 =	vgt.s32 v30, $0x1F  }
0xaa: {  	v23 =	vsel vm0, v28, v23  }
0xab: {  	v3 =	vxor.u32 v3, v23  }
0xac: {  	vm0 =	vgt.s32 v11, v3;
	vm1 =	vgt.s32 v13, v3  }
0xad: {  	v11 =	vsel vm0, $0x1, v1;
	v13 =	vsel vm1, $0x1, v1;
	vm0 =	vgt.s32 v12, v3  }
0xae: {  	vm1 =	vgt.s32 v14, v3;
	v12 =	vsel vm0, $0x1, v1;
	v11 =	vadd.s32 v13, v11  }
0xaf: {  	v56 =	vsel vm1, $0x1, v1;
	vm0 =	vgt.s32 v8, v3;
	v8 =	vadd.s32 v12, v11  }
0xb0: {  	vm1 =	vgt.s32 v7, v3;
	v7 =	vsel vm0, $0x1, v1;
	v8 =	vadd.s32 v56, v8  }
0xb1: {  	v57 =	vsel vm1, $0x1, v1;
	vm0 =	vgt.s32 v4, v3;
	v4 =	vadd.s32 v7, v8  }
0xb2: {  	vm1 =	vgt.s32 v5, v3;
	v5 =	vsel vm0, $0x1, v1;
	v4 =	vadd.s32 v57, v4  }
0xb3: {  	vm0 =	vgt.s32 v6, v3;
	v6 =	vsel vm1, $0x1, v1;
	v4 =	vadd.s32 v5, v4  }
0xb4: {  	vm1 =	vgt.s32 v9, v3;
	v5 =	vsel vm0, $0x1, v1;
	v4 =	vadd.s32 v6, v4  }
0xb5: {  	vm0 =	vgt.s32 v10, v3;
	v6 =	vsel vm1, $0x1, v1;
	v4 =	vadd.s32 v5, v4  }
0xb6: {  	vm1 =	vgt.s32 v15, v3;
	v5 =	vsel vm0, $0x1, v1;
	v4 =	vadd.s32 v6, v4  }
0xb7: {  	vm0 =	vgt.s32 v16, v3;
	v6 =	vsel vm1, $0x1, v1;
	v4 =	vadd.s32 v5, v4  }
0xb8: {  	vm1 =	vgt.s32 v17, v3;
	v5 =	vsel vm0, $0x1, v1;
	v4 =	vadd.s32 v6, v4  }
0xb9: {  	vm0 =	vgt.s32 v18, v3;
	v6 =	vsel vm1, $0x1, v1;
	v4 =	vadd.s32 v5, v4  }
0xba: {  	vm1 =	vgt.s32 v19, v3;
	v5 =	vsel vm0, $0x1, v1;
	v4 =	vadd.s32 v6, v4  }
0xbb: {  	vm0 =	vgt.s32 v20, v3;
	v6 =	vsel vm1, $0x1, v1;
	v4 =	vadd.s32 v5, v4  }
0xbc: {  	vm1 =	vgt.s32 v21, v3;
	v5 =	vsel vm0, $0x1, v1;
	v4 =	vadd.s32 v6, v4  }
0xbd: {  	vm0 =	vgt.s32 v22, v3;
	v6 =	vsel vm1, $0x1, v1;
	v4 =	vadd.s32 v5, v4  }
0xbe: {  	vm1 =	vgt.s32 v24, v3;
	v5 =	vsel vm0, $0x1, v1;
	v4 =	vadd.s32 v6, v4  }
0xbf: {  	vm0 =	vgt.s32 v25, v3;
	v6 =	vsel vm1, $0x1, v1;
	v4 =	vadd.s32 v5, v4  }
0xc0: {  	vm1 =	vgt.s32 v26, v3;
	v5 =	vsel vm0, $0x1, v1;
	v4 =	vadd.s32 v6, v4  }
0xc1: {  	vm0 =	vgt.s32 v27, v3;
	v6 =	vsel vm1, $0x1, v1;
	v4 =	vadd.s32 v5, v4  }
0xc2: {  	vm1 =	vgt.s32 v29, v3;
	v5 =	vsel vm0, $0x1, v1;
	v4 =	vadd.s32 v6, v4  }
0xc3: {  	v6 =	vsel vm1, $0x1, v1;
	v4 =	vadd.s32 v5, v4  }
0xc4: {  	v4 =	vadd.s32 v6, v4  }
0xc5: {  	[tilespmem:$0x300] =	vst v4  }
0xc6: {  	[tilespmem:$0x310] =	vst v4  }
0xc7: {  	v5 =	vld [tilespmem:$0x304]  }
0xc8: {  	v6 =	vld [tilespmem:$0x308]  }
0xc9: {  	v7 =	vld [tilespmem:$0x30C];
	_ =	sdelay $0x2  }
0xca: {  	v4 =	vadd.s32 v4, v5  }
0xcb: {  	v4 =	vadd.s32 v6, v4  }
0xcc: {  	v4 =	vadd.s32 v7, v4  }
0xcd: {  	[tilespmem:$0x300] =	vst v4  }
0xce: {  	s11 =	simm.s32 $0x0;
	[tilespmem:$0x310] =	vst v4  }
0xcf: {  	v7 =	vld [tilespmem:s11+$0x0];
	_ =	sdelay $0x3  }
0xd0: {  	v5 =	vld [tilespmem:$0x301]  }
0xd1: {  	v8 =	vld [tilespmem:$0x302];
	vm0 =	veq.s32 v7, v3  }
0xd2: {  	v58 =	vld [tilespmem:$0x303];
	[tilespmem:$0x300] =	vst v1;
	v6 =	vsel vm0, $0x1, v1  }
0xd3: {  	[tilespmem:$0x310] =	vst v6  }
0xd4: {  	v59 =	vld [tilespmem:$0x30F];
	_ =	sdelay $0x4  }
0xd5: {  	v10 =	vadd.s32 v6, v59  }
0xd6: {  	[tilespmem:$0x310] =	vst v10  }
0xd7: {  	v60 =	vld [tilespmem:$0x30E];
	_ =	sdelay $0x4  }
0xd8: {  	v10 =	vadd.s32 v10, v60  }
0xd9: {  	[tilespmem:$0x310] =	vst v10  }
0xda: {  	v61 =	vld [tilespmem:$0x30C];
	_ =	sdelay $0x4  }
0xdb: {  	v10 =	vadd.s32 v10, v61  }
0xdc: {  	[tilespmem:$0x310] =	vst v10  }
0xdd: {  	v62 =	vld [tilespmem:$0x308];
	_ =	sdelay $0x1  }
0xde: {  	v4 =	vadd.s32 v5, v4;
	v5 =	vimm.s32 $0x0;
	v63 =	vsel vm0, $0xFFFFFFFF, v1  }
0xdf: {  	v4 =	vadd.s32 v8, v4;
	v8 =	vadd.s32 v63, v5  }
0xe0: {  	v4 =	vadd.s32 v58, v4;
	v8 =	vadd.s32 v10, v8  }
0xe1: {  	v4 =	vsub.s32 $0x20, v4;
	v8 =	vadd.s32 v62, v8  }
0xe2: {  	s12 =	simm.s32 $0x80;
	s14 =	simm.s32 $0x10;
	vm1 =	vgt.s32 v7, v3;
	vm2 =	vlt.s32 v8, v4  }
.LBB2_5:
0xe3: {  	p1 =	sne.s32 s12, $0x5C0;
	vm0 =	vmand vm0, vm2;
	s13 =	smov.u32 s12;
	s12 =	sadd.s32 $0x40, s12  }
0xe4: {  	vm0 =	vmor vm1, vm0  }
0xe5: {  	v7 =	vsel vm0, $0x3F800000, v2  }
0xe6: {  	[tilespmem:s11+$0x180] =	vst v7;
	s11 =	smov.u32 s14  }
0xe7: {  	[tilespmem:$0x300] =	vst v6  }
0xe8: {  	[tilespmem:$0x310] =	vst v6  }
0xe9: {  	v7 =	vld [tilespmem:$0x304]  }
0xea: {  	v8 =	vld [tilespmem:$0x308]  }
0xeb: {  	v9 =	vld [tilespmem:$0x30C];
	_ =	sdelay $0x2  }
0xec: {  	v6 =	vadd.s32 v6, v7  }
0xed: {  	v6 =	vadd.s32 v8, v6  }
0xee: {  	v6 =	vadd.s32 v9, v6  }
0xef: {  	[tilespmem:$0x300] =	vst v6  }
0xf0: {  	[tilespmem:$0x310] =	vst v6  }
0xf1: {  	v7 =	vld [tilespmem:s11+$0x0]  }
0xf2: {  	v8 =	vld [tilespmem:$0x302]  }
0xf3: {  	v9 =	vld [tilespmem:$0x301]  }
0xf4: {  	v10 =	vld [tilespmem:$0x303];
	_ =	sdelay $0x1  }
0xf5: {  	v5 =	vadd.s32 v5, v6;
	vm1 =	vgt.s32 v7, v3;
	vm0 =	veq.s32 v7, v3;
	_ =	sdelay $0x1  }
0xf6: {  	v6 =	vsel vm0, $0x1, v1;
	[tilespmem:$0x300] =	vst v1;
	v5 =	vadd.s32 v9, v5  }
0xf7: {  	[tilespmem:$0x310] =	vst v6;
	v5 =	vadd.s32 v8, v5  }
0xf8: {  	v7 =	vld [tilespmem:$0x30F];
	v5 =	vadd.s32 v10, v5;
	_ =	sdelay $0x4  }
0xf9: {  	v7 =	vadd.s32 v6, v7  }
0xfa: {  	[tilespmem:$0x310] =	vst v7  }
0xfb: {  	v8 =	vld [tilespmem:$0x30E];
	_ =	sdelay $0x4  }
0xfc: {  	v7 =	vadd.s32 v7, v8  }
0xfd: {  	[tilespmem:$0x310] =	vst v7  }
0xfe: {  	v8 =	vld [tilespmem:$0x30C];
	_ =	sdelay $0x4  }
0xff: {  	v7 =	vadd.s32 v7, v8  }
0x100: {  	[tilespmem:$0x310] =	vst v7  }
0x101: {  	v8 =	vld [tilespmem:$0x308];
	_ =	sdelay $0x1  }
.Ltmp4:
0x102: {  	s14 =	sshra.s32 s13, $0x2;
	v9 =	vsel vm0, $0xFFFFFFFF, v1;
	(pc) =	sbr.rel @p1 .LBB2_5-.Ltmp4, $4  }
0x103: {  	v9 =	vadd.s32 v9, v5  }
0x104: {  	v7 =	vadd.s32 v7, v9  }
0x105: {  	v7 =	vadd.s32 v8, v7  }
0x106: {  	vm2 =	vlt.s32 v7, v4  }
.Ltmp5:
0x107: {  	_ = 	snop;
	(pc) =	sbr.rel .LBB2_6-.Ltmp5, $1  }
0x108: {  	_ =	sdelay $0x3  }
.LBB2_8:
0x109: {  	_ =	sfence.sel $0x180000  }
0x10a: {  	[bflag:$0x0] =	sbarrier.arrive $0xFFFF  }
0x10b: {  	p0 =	sne.s32 s0, $0x0;
	_ =	strace $0x90000047  }
0x10c: {  	s0 =	sadd.s32 @!p0 $0x100000, s1;
	[bflag:$0x2] =	sbarrier.arrive $0xFFFF  }
0x10d: {  	[sflag:s0] =	ssyncadd.tile.s32 @!p0 $0x1;
	_ =	shalt  }
.Lfunc_end2:
_tile_overlayer_lowered:
.L_overlay_start_2:
0x10e: {  	(tag) =	ssettag $0x2  }
0x10f: {  	s0 =	rddreg [dreg:$0x0];
	s2 =	stileid.u32  }
0x110: {  	s1 =	rddreg [dreg:$0x1];
	p0 =	sne.s32 s2, $0x0  }
0x111: {  	s3 =	rddreg [dreg:$0x2];
	[bflag:$0x3] =	sbarrier.arrive $0xFFFF;
	s2 =	simm.s32 @!p0 $0x1C01  }
0x112: {  	[timem:s3], [sflag:s2] =	dma.local @!p0 [hbm:s0], s1  }
0x113: {  	s0 =	simm.s32 @!p0 $0x1  }
0x114: {  	_ =	swait.ge @!p0 [sflag:s0], s1  }
0x115: {  	s1 =	ssub.s32 @!p0 $0x0, s1;
	[sflag:s0] =	ssyncset.done @!p0 $0x0  }
0x116: {  	[sflag:s0] =	ssyncadd.s32 @!p0 s1  }
0x117: {  	[bflag:$0x3] =	sbarrier.arrive $0xFFFF  }
0x118: {  	_ =	shalt  }

</sc_bundles>
